<compile_context>
chip_gen: v7x
topology: tpu7x:2x2x1
jax: 0.10.2.dev20260603
libtpu: 0.0.44.dev20260713+nightly
codegen_flags: <defaults>
</compile_context>

<pallas_src>
import jax
import jax.numpy as jnp
from jax import lax
from jax.experimental import pallas as pl
from jax.experimental.pallas import tpu as pltpu, tpu_sc as plsc

N, K, H, W = 4, 16, 256, 256
C, P = 4, 100000
HW = H * W
NPIX = N * HW
NWORK = 32
SLOTS = NWORK // C
CHUNK = NPIX // SLOTS
S = 256
NBLK = CHUNK // S
NV = S // 16


def _sc_composite(frag_hbm, alpha_hbm, table_hbm, out_hbm,
                  table_v, frag_v, alpha_v, out_v):
    cid = lax.axis_index("c")
    sid = lax.axis_index("s")
    wid = sid * 2 + cid
    g = wid % C
    slot = wid // C
    pix0 = slot * CHUNK
    n = pix0 // HW
    hw0 = pix0 % HW

    pltpu.sync_copy(table_hbm.at[g], table_v)

    def block_body(b, carry):
        off = hw0 + b * S
        pltpu.sync_copy(frag_hbm.at[n, :, pl.ds(off, S)], frag_v)
        pltpu.sync_copy(alpha_hbm.at[n, :, pl.ds(off, S)], alpha_v)

        def vbody(v, c2):
            base = v * 16
            trans = jnp.full((16,), 1.0, jnp.float32)
            acc = jnp.zeros((16,), jnp.float32)
            for k in range(K):
                f = frag_v[k, pl.ds(base, 16)]
                a = alpha_v[k, pl.ds(base, 16)]
                vals = plsc.load_gather(table_v, [f])
                w = a * trans
                acc = acc + w * vals
                if k + 1 < K:
                    trans = trans * (1.0 - a)
            out_v[pl.ds(base, 16)] = acc
            return c2

        lax.fori_loop(0, NV, vbody, 0)
        pltpu.sync_copy(out_v, out_hbm.at[n, g, pl.ds(off, S)])
        return carry

    lax.fori_loop(0, NBLK, block_body, 0)


@jax.jit
def kernel(fragments, alphas, ptclds):
    frag = fragments.astype(jnp.int32).reshape(N, K, HW)
    al = alphas.reshape(N, K, HW)
    run = pl.kernel(
        _sc_composite,
        out_type=jax.ShapeDtypeStruct((N, C, HW), jnp.float32),
        mesh=plsc.VectorSubcoreMesh(core_axis_name="c", subcore_axis_name="s", num_cores=2, num_subcores=16),
        compiler_params=pltpu.CompilerParams(needs_layout_passes=False),
        scratch_types=[
            pltpu.VMEM((P,), jnp.float32),
            pltpu.VMEM((K, S), jnp.int32),
            pltpu.VMEM((K, S), jnp.float32),
            pltpu.VMEM((S,), jnp.float32),
        ],
    )
    out = run(frag, al, ptclds)
    return out.reshape(N, C, H, W)

# --- scband reference (transcript-rebuilt; emitter-appended) ---
"""Pipeline reference for scband-alpha-compositor-70635032150717 (READ-ONLY COPY).

The authoritative reference and input builder live on the scoring server;
editing this copy changes nothing except your own understanding.
"""

import jax, jax.numpy as jnp
import numpy as np


def setup_inputs(seed: int = 0) -> dict:
    key = jax.random.key(seed)
    k1, k2, k3 = jax.random.split(key, 3)
    N, K, H, W = 4, 16, 256, 256
    C, P = 4, 100000
    fragments = jax.random.randint(k1, (N, K, H, W), 0, P, dtype=jnp.int64)
    alphas = jax.random.uniform(k2, (N, K, H, W), dtype=jnp.float32)
    ptclds = jax.random.uniform(k3, (C, P), dtype=jnp.float32)
    return {"fragments": fragments, "alphas": alphas, "ptclds": ptclds}


def reference(fragments, alphas, ptclds):
    # Alpha compositing (front-to-back) as in pytorch3d's alpha_composite.
    # fragments: int (N, K, H, W) indices into P points (z-sorted per pixel)
    # alphas:    float (N, K, H, W)
    # ptclds:    float (C, P) per-point features
    # out:       float (N, C, H, W)
    # transmittance t_k = prod_{j<k} (1 - alpha_j)
    ones = jnp.ones_like(alphas[:, :1])
    trans = jnp.cumprod(jnp.concatenate([ones, 1.0 - alphas[:, :-1]], axis=1), axis=1)
    weights = alphas * trans  # (N, K, H, W)
    # gather point features per pixel per layer: (C, N, K, H, W)
    feats = jnp.take(ptclds, fragments, axis=1)
    images = jnp.sum(weights[None] * feats, axis=2)  # (C, N, H, W)
    images = jnp.transpose(images, (1, 0, 2, 3))  # (N, C, H, W)
    # background_color is None -> return images unchanged
    return images

if __name__ == "__main__":
    import jax
    _d = setup_inputs()
    print(jax.jit(kernel)(*tuple(_d.values())))

</pallas_src>

<mosaic_0001>
#map = affine_map<(d0, d1) -> (0, 0, 0)>
#map1 = affine_map<(d0, d1) -> (0, 0)>
module attributes {stable_mosaic.version = 14 : i64} {
  func.func @_sc_composite(%arg0: i32, %arg1: i32, %arg2: memref<4x16x65536xi32, #tpu.memory_space<hbm>>, %arg3: memref<4x16x65536xf32, #tpu.memory_space<hbm>>, %arg4: memref<4x100000xf32, #tpu.memory_space<hbm>>, %arg5: memref<4x4x65536xf32, #tpu.memory_space<hbm>>, %arg6: memref<100000xf32, #tpu.memory_space<vmem>>, %arg7: memref<16x256xi32, #tpu.memory_space<vmem>>, %arg8: memref<16x256xf32, #tpu.memory_space<vmem>>, %arg9: memref<256xf32, #tpu.memory_space<vmem>>) attributes {dimension_semantics = [#tpu.dimension_semantics<core_parallel>, #tpu.dimension_semantics<subcore_parallel>], iteration_bounds = array<i64: 2, 16>, scalar_prefetch = 0 : i64, scratch_operands = 4 : i64, tpu.core_type = #tpu.core_type<sc_vector_subcore>, window_params = [{transform_indices = #map}, {transform_indices = #map}, {transform_indices = #map1}, {transform_indices = #map}]} {
    %mul3A = arith.constant 2 : i32
    %mul3A_0 = arith.muli %arg1, %mul3A : i32
    %add3A = arith.addi %mul3A_0, %arg0 : i32
    %jit3A = arith.constant 4 : i32
    %eq3A = arith.constant 0 : i32
    %eq3A_1 = arith.cmpi eq, %jit3A, %eq3A : i32
    %jit3A_2 = arith.constant 1 : i32
    %select_n3A = arith.select %eq3A_1, %jit3A_2, %jit3A : i32
    %rem3A = arith.remsi %add3A, %select_n3A : i32
    %ne3A = arith.constant 0 : i32
    %ne3A_3 = arith.cmpi ne, %rem3A, %ne3A : i32
    %lt3A = arith.constant 0 : i32
    %lt3A_4 = arith.cmpi slt, %rem3A, %lt3A : i32
    %lt3A_5 = arith.constant 0 : i32
    %lt3A_6 = arith.cmpi slt, %select_n3A, %lt3A_5 : i32
    %ne3A_7 = arith.xori %lt3A_4, %lt3A_6 : i1
    %and3A = arith.andi %ne3A_7, %ne3A_3 : i1
    %add3A_8 = arith.addi %rem3A, %select_n3A : i32
    %select_n3A_9 = arith.select %and3A, %add3A_8, %rem3A : i32
    %jit3A_10 = arith.constant 4 : i32
    %div3A = arith.divsi %add3A, %jit3A_10 : i32
    %sign3A = arith.constant 0 : i32
    %sign3A_11 = arith.cmpi sgt, %add3A, %sign3A : i32
    %sign3A_12 = arith.extui %sign3A_11 : i1 to i32
    %sign3A_13 = arith.constant 0 : i32
    %sign3A_14 = arith.cmpi slt, %add3A, %sign3A_13 : i32
    %sign3A_15 = arith.extui %sign3A_14 : i1 to i32
    %sign3A_16 = arith.subi %sign3A_12, %sign3A_15 : i32
    %sign3A_17 = arith.constant 0 : i32
    %sign3A_18 = arith.cmpi sgt, %jit3A_10, %sign3A_17 : i32
    %sign3A_19 = arith.extui %sign3A_18 : i1 to i32
    %sign3A_20 = arith.constant 0 : i32
    %sign3A_21 = arith.cmpi slt, %jit3A_10, %sign3A_20 : i32
    %sign3A_22 = arith.extui %sign3A_21 : i1 to i32
    %sign3A_23 = arith.subi %sign3A_19, %sign3A_22 : i32
    %ne3A_24 = arith.cmpi ne, %sign3A_16, %sign3A_23 : i32
    %rem3A_25 = arith.remsi %add3A, %jit3A_10 : i32
    %ne3A_26 = arith.constant 0 : i32
    %ne3A_27 = arith.cmpi ne, %rem3A_25, %ne3A_26 : i32
    %and3A_28 = arith.andi %ne3A_24, %ne3A_27 : i1
    %sub3A = arith.constant 1 : i32
    %sub3A_29 = arith.subi %div3A, %sub3A : i32
    %select_n3A_30 = arith.select %and3A_28, %sub3A_29, %div3A : i32
    %mul3A_31 = arith.constant 32768 : i32
    %mul3A_32 = arith.muli %select_n3A_30, %mul3A_31 : i32
    %jit3A_33 = arith.constant 65536 : i32
    %div3A_34 = arith.divsi %mul3A_32, %jit3A_33 : i32
    %sign3A_35 = arith.constant 0 : i32
    %sign3A_36 = arith.cmpi sgt, %mul3A_32, %sign3A_35 : i32
    %sign3A_37 = arith.extui %sign3A_36 : i1 to i32
    %sign3A_38 = arith.constant 0 : i32
    %sign3A_39 = arith.cmpi slt, %mul3A_32, %sign3A_38 : i32
    %sign3A_40 = arith.extui %sign3A_39 : i1 to i32
    %sign3A_41 = arith.subi %sign3A_37, %sign3A_40 : i32
    %sign3A_42 = arith.constant 0 : i32
    %sign3A_43 = arith.cmpi sgt, %jit3A_33, %sign3A_42 : i32
    %sign3A_44 = arith.extui %sign3A_43 : i1 to i32
    %sign3A_45 = arith.constant 0 : i32
    %sign3A_46 = arith.cmpi slt, %jit3A_33, %sign3A_45 : i32
    %sign3A_47 = arith.extui %sign3A_46 : i1 to i32
    %sign3A_48 = arith.subi %sign3A_44, %sign3A_47 : i32
    %ne3A_49 = arith.cmpi ne, %sign3A_41, %sign3A_48 : i32
    %rem3A_50 = arith.remsi %mul3A_32, %jit3A_33 : i32
    %ne3A_51 = arith.constant 0 : i32
    %ne3A_52 = arith.cmpi ne, %rem3A_50, %ne3A_51 : i32
    %and3A_53 = arith.andi %ne3A_49, %ne3A_52 : i1
    %sub3A_54 = arith.constant 1 : i32
    %sub3A_55 = arith.subi %div3A_34, %sub3A_54 : i32
    %select_n3A_56 = arith.select %and3A_53, %sub3A_55, %div3A_34 : i32
    %jit3A_57 = arith.constant 65536 : i32
    %eq3A_58 = arith.constant 0 : i32
    %eq3A_59 = arith.cmpi eq, %jit3A_57, %eq3A_58 : i32
    %jit3A_60 = arith.constant 1 : i32
    %select_n3A_61 = arith.select %eq3A_59, %jit3A_60, %jit3A_57 : i32
    %rem3A_62 = arith.remsi %mul3A_32, %select_n3A_61 : i32
    %ne3A_63 = arith.constant 0 : i32
    %ne3A_64 = arith.cmpi ne, %rem3A_62, %ne3A_63 : i32
    %lt3A_65 = arith.constant 0 : i32
    %lt3A_66 = arith.cmpi slt, %rem3A_62, %lt3A_65 : i32
    %lt3A_67 = arith.constant 0 : i32
    %lt3A_68 = arith.cmpi slt, %select_n3A_61, %lt3A_67 : i32
    %ne3A_69 = arith.xori %lt3A_66, %lt3A_68 : i1
    %and3A_70 = arith.andi %ne3A_69, %ne3A_64 : i1
    %add3A_71 = arith.addi %rem3A_62, %select_n3A_61 : i32
    %select_n3A_72 = arith.select %and3A_70, %add3A_71, %rem3A_62 : i32
    "tpu.region"() ({
      %run_scoped3A = tpu.sem_alloc : memref<!tpu.dma_semaphore, #tpu.memory_space<semaphore_mem>>
      %dma_start3A = arith.constant 0 : i32
      %dma_start3A_78 = tpu.memref_slice %arg4[%select_n3A_9, %dma_start3A] : memref<4x100000xf32, #tpu.memory_space<hbm>> -> memref<1x100000xf32, #tpu.memory_space<hbm>>
      %dma_start3A_79 = tpu.memref_squeeze %dma_start3A_78 : memref<1x100000xf32, #tpu.memory_space<hbm>> -> memref<100000xf32, #tpu.memory_space<hbm>>
      %dma_start3A_80 = arith.constant 0 : i32
      %dma_start3A_81 = tpu.memref_slice %arg4[%select_n3A_9, %dma_start3A_80] : memref<4x100000xf32, #tpu.memory_space<hbm>> -> memref<1x100000xf32, #tpu.memory_space<hbm>>
      %dma_start3A_82 = tpu.memref_squeeze %dma_start3A_81 : memref<1x100000xf32, #tpu.memory_space<hbm>> -> memref<100000xf32, #tpu.memory_space<hbm>>
      tpu.enqueue_dma source(%dma_start3A_82 : memref<100000xf32, #tpu.memory_space<hbm>>) target(%arg6 : memref<100000xf32, #tpu.memory_space<vmem>>) target_semaphore(%run_scoped3A : memref<!tpu.dma_semaphore, #tpu.memory_space<semaphore_mem>>)
      %dma_wait3A = arith.constant 0 : i32
      %dma_wait3A_83 = tpu.memref_slice %arg4[%select_n3A_9, %dma_wait3A] : memref<4x100000xf32, #tpu.memory_space<hbm>> -> memref<1x100000xf32, #tpu.memory_space<hbm>>
      %dma_wait3A_84 = tpu.memref_squeeze %dma_wait3A_83 : memref<1x100000xf32, #tpu.memory_space<hbm>> -> memref<100000xf32, #tpu.memory_space<hbm>>
      %dma_wait3A_85 = arith.constant 0 : i32
      %dma_wait3A_86 = tpu.memref_slice %arg4[%select_n3A_9, %dma_wait3A_85] : memref<4x100000xf32, #tpu.memory_space<hbm>> -> memref<1x100000xf32, #tpu.memory_space<hbm>>
      %dma_wait3A_87 = tpu.memref_squeeze %dma_wait3A_86 : memref<1x100000xf32, #tpu.memory_space<hbm>> -> memref<100000xf32, #tpu.memory_space<hbm>>
      tpu.wait_dma2 semaphore(%run_scoped3A : memref<!tpu.dma_semaphore, #tpu.memory_space<semaphore_mem>>) src(%dma_wait3A_87 : memref<100000xf32, #tpu.memory_space<hbm>>) dst(%arg6 : memref<100000xf32, #tpu.memory_space<vmem>>)
      tpu.yield
    }) : () -> ()
    %scan3A = arith.constant 0 : i32
    %scan3A_73 = arith.constant 0 : i32
    %scan3A_74 = arith.constant 128 : i32
    %scan3A_75 = arith.addi %scan3A_73, %scan3A_74 : i32
    %scan3A_76 = arith.constant 1 : i32
    scf.for %scan3A_78 = %scan3A_73 to %scan3A_75 step %scan3A_76  : i32 {
      %mul3A_79 = arith.constant 256 : i32
      %mul3A_80 = arith.muli %scan3A_78, %mul3A_79 : i32
      %add3A_81 = arith.addi %select_n3A_72, %mul3A_80 : i32
      "tpu.region"() ({
        %run_scoped3A = tpu.sem_alloc : memref<!tpu.dma_semaphore, #tpu.memory_space<semaphore_mem>>
        %dma_start3A = arith.constant 0 : i32
        %dma_start3A_88 = tpu.memref_slice %arg2[%select_n3A_56, %dma_start3A, %add3A_81] : memref<4x16x65536xi32, #tpu.memory_space<hbm>> -> memref<1x16x256xi32, #tpu.memory_space<hbm>>
        %dma_start3A_89 = tpu.memref_squeeze %dma_start3A_88 : memref<1x16x256xi32, #tpu.memory_space<hbm>> -> memref<16x256xi32, #tpu.memory_space<hbm>>
        %dma_start3A_90 = arith.constant 0 : i32
        %dma_start3A_91 = tpu.memref_slice %arg2[%select_n3A_56, %dma_start3A_90, %add3A_81] : memref<4x16x65536xi32, #tpu.memory_space<hbm>> -> memref<1x16x256xi32, #tpu.memory_space<hbm>>
        %dma_start3A_92 = tpu.memref_squeeze %dma_start3A_91 : memref<1x16x256xi32, #tpu.memory_space<hbm>> -> memref<16x256xi32, #tpu.memory_space<hbm>>
        tpu.enqueue_dma source(%dma_start3A_92 : memref<16x256xi32, #tpu.memory_space<hbm>>) target(%arg7 : memref<16x256xi32, #tpu.memory_space<vmem>>) target_semaphore(%run_scoped3A : memref<!tpu.dma_semaphore, #tpu.memory_space<semaphore_mem>>)
        %dma_wait3A = arith.constant 0 : i32
        %dma_wait3A_93 = tpu.memref_slice %arg2[%select_n3A_56, %dma_wait3A, %add3A_81] : memref<4x16x65536xi32, #tpu.memory_space<hbm>> -> memref<1x16x256xi32, #tpu.memory_space<hbm>>
        %dma_wait3A_94 = tpu.memref_squeeze %dma_wait3A_93 : memref<1x16x256xi32, #tpu.memory_space<hbm>> -> memref<16x256xi32, #tpu.memory_space<hbm>>
        %dma_wait3A_95 = arith.constant 0 : i32
        %dma_wait3A_96 = tpu.memref_slice %arg2[%select_n3A_56, %dma_wait3A_95, %add3A_81] : memref<4x16x65536xi32, #tpu.memory_space<hbm>> -> memref<1x16x256xi32, #tpu.memory_space<hbm>>
        %dma_wait3A_97 = tpu.memref_squeeze %dma_wait3A_96 : memref<1x16x256xi32, #tpu.memory_space<hbm>> -> memref<16x256xi32, #tpu.memory_space<hbm>>
        tpu.wait_dma2 semaphore(%run_scoped3A : memref<!tpu.dma_semaphore, #tpu.memory_space<semaphore_mem>>) src(%dma_wait3A_97 : memref<16x256xi32, #tpu.memory_space<hbm>>) dst(%arg7 : memref<16x256xi32, #tpu.memory_space<vmem>>)
        tpu.yield
      }) : () -> ()
      "tpu.region"() ({
        %run_scoped3A = tpu.sem_alloc : memref<!tpu.dma_semaphore, #tpu.memory_space<semaphore_mem>>
        %dma_start3A = arith.constant 0 : i32
        %dma_start3A_88 = tpu.memref_slice %arg3[%select_n3A_56, %dma_start3A, %add3A_81] : memref<4x16x65536xf32, #tpu.memory_space<hbm>> -> memref<1x16x256xf32, #tpu.memory_space<hbm>>
        %dma_start3A_89 = tpu.memref_squeeze %dma_start3A_88 : memref<1x16x256xf32, #tpu.memory_space<hbm>> -> memref<16x256xf32, #tpu.memory_space<hbm>>
        %dma_start3A_90 = arith.constant 0 : i32
        %dma_start3A_91 = tpu.memref_slice %arg3[%select_n3A_56, %dma_start3A_90, %add3A_81] : memref<4x16x65536xf32, #tpu.memory_space<hbm>> -> memref<1x16x256xf32, #tpu.memory_space<hbm>>
        %dma_start3A_92 = tpu.memref_squeeze %dma_start3A_91 : memref<1x16x256xf32, #tpu.memory_space<hbm>> -> memref<16x256xf32, #tpu.memory_space<hbm>>
        tpu.enqueue_dma source(%dma_start3A_92 : memref<16x256xf32, #tpu.memory_space<hbm>>) target(%arg8 : memref<16x256xf32, #tpu.memory_space<vmem>>) target_semaphore(%run_scoped3A : memref<!tpu.dma_semaphore, #tpu.memory_space<semaphore_mem>>)
        %dma_wait3A = arith.constant 0 : i32
        %dma_wait3A_93 = tpu.memref_slice %arg3[%select_n3A_56, %dma_wait3A, %add3A_81] : memref<4x16x65536xf32, #tpu.memory_space<hbm>> -> memref<1x16x256xf32, #tpu.memory_space<hbm>>
        %dma_wait3A_94 = tpu.memref_squeeze %dma_wait3A_93 : memref<1x16x256xf32, #tpu.memory_space<hbm>> -> memref<16x256xf32, #tpu.memory_space<hbm>>
        %dma_wait3A_95 = arith.constant 0 : i32
        %dma_wait3A_96 = tpu.memref_slice %arg3[%select_n3A_56, %dma_wait3A_95, %add3A_81] : memref<4x16x65536xf32, #tpu.memory_space<hbm>> -> memref<1x16x256xf32, #tpu.memory_space<hbm>>
        %dma_wait3A_97 = tpu.memref_squeeze %dma_wait3A_96 : memref<1x16x256xf32, #tpu.memory_space<hbm>> -> memref<16x256xf32, #tpu.memory_space<hbm>>
        tpu.wait_dma2 semaphore(%run_scoped3A : memref<!tpu.dma_semaphore, #tpu.memory_space<semaphore_mem>>) src(%dma_wait3A_97 : memref<16x256xf32, #tpu.memory_space<hbm>>) dst(%arg8 : memref<16x256xf32, #tpu.memory_space<vmem>>)
        tpu.yield
      }) : () -> ()
      %scan3A_82 = arith.constant 0 : i32
      %scan3A_83 = arith.constant 0 : i32
      %scan3A_84 = arith.constant 16 : i32
      %scan3A_85 = arith.addi %scan3A_83, %scan3A_84 : i32
      %scan3A_86 = arith.constant 1 : i32
      scf.for %scan3A_88 = %scan3A_83 to %scan3A_85 step %scan3A_86  : i32 {
        %mul3A_89 = arith.constant 16 : i32
        %mul3A_90 = arith.muli %scan3A_88, %mul3A_89 : i32
        %broadcast_in_dim3A = arith.constant 1.000000e+00 : f32
        %broadcast_in_dim3A_91 = vector.broadcast %broadcast_in_dim3A : f32 to vector<16xf32>
        %broadcast_in_dim3A_92 = arith.constant 0.000000e+00 : f32
        %broadcast_in_dim3A_93 = vector.broadcast %broadcast_in_dim3A_92 : f32 to vector<16xf32>
        %get3A = arith.constant 0 : i32
        %get3A_94 = arith.index_cast %get3A : i32 to index
        %get3A_95 = arith.index_cast %mul3A_90 : i32 to index
        %get3A_96 = tpu.vector_load %arg7[%get3A_94, %get3A_95] {strides = array<i32>} : memref<16x256xi32, #tpu.memory_space<vmem>>, vector<16xi32>,
        %get3A_97 = arith.constant 0 : i32
        %get3A_98 = arith.index_cast %get3A_97 : i32 to index
        %get3A_99 = arith.index_cast %mul3A_90 : i32 to index
        %get3A_100 = tpu.vector_load %arg8[%get3A_98, %get3A_99] {strides = array<i32>} : memref<16x256xf32, #tpu.memory_space<vmem>>, vector<16xf32>,
        %gather3A = tpu.vector_load_idx %arg6[%get3A_96] : memref<100000xf32, #tpu.memory_space<vmem>>[vector<16xi32>], vector<16xf32>,
        %mul3A_101 = arith.mulf %get3A_100, %broadcast_in_dim3A_91 : vector<16xf32>
        %mul3A_102 = arith.mulf %mul3A_101, %gather3A : vector<16xf32>
        %add3A_103 = arith.addf %broadcast_in_dim3A_93, %mul3A_102 : vector<16xf32>
        %sub3A_104 = arith.constant 1.000000e+00 : f32
        %sub3A_105 = vector.broadcast %sub3A_104 : f32 to vector<16xf32>
        %sub3A_106 = arith.subf %sub3A_105, %get3A_100 : vector<16xf32>
        %mul3A_107 = arith.mulf %broadcast_in_dim3A_91, %sub3A_106 : vector<16xf32>
        %get3A_108 = arith.constant 1 : i32
        %get3A_109 = arith.index_cast %get3A_108 : i32 to index
        %get3A_110 = arith.index_cast %mul3A_90 : i32 to index
        %get3A_111 = tpu.vector_load %arg7[%get3A_109, %get3A_110] {strides = array<i32>} : memref<16x256xi32, #tpu.memory_space<vmem>>, vector<16xi32>,
        %get3A_112 = arith.constant 1 : i32
        %get3A_113 = arith.index_cast %get3A_112 : i32 to index
        %get3A_114 = arith.index_cast %mul3A_90 : i32 to index
        %get3A_115 = tpu.vector_load %arg8[%get3A_113, %get3A_114] {strides = array<i32>} : memref<16x256xf32, #tpu.memory_space<vmem>>, vector<16xf32>,
        %gather3A_116 = tpu.vector_load_idx %arg6[%get3A_111] : memref<100000xf32, #tpu.memory_space<vmem>>[vector<16xi32>], vector<16xf32>,
        %mul3A_117 = arith.mulf %get3A_115, %mul3A_107 : vector<16xf32>
        %mul3A_118 = arith.mulf %mul3A_117, %gather3A_116 : vector<16xf32>
        %add3A_119 = arith.addf %add3A_103, %mul3A_118 : vector<16xf32>
        %sub3A_120 = arith.constant 1.000000e+00 : f32
        %sub3A_121 = vector.broadcast %sub3A_120 : f32 to vector<16xf32>
        %sub3A_122 = arith.subf %sub3A_121, %get3A_115 : vector<16xf32>
        %mul3A_123 = arith.mulf %mul3A_107, %sub3A_122 : vector<16xf32>
        %get3A_124 = arith.constant 2 : i32
        %get3A_125 = arith.index_cast %get3A_124 : i32 to index
        %get3A_126 = arith.index_cast %mul3A_90 : i32 to index
        %get3A_127 = tpu.vector_load %arg7[%get3A_125, %get3A_126] {strides = array<i32>} : memref<16x256xi32, #tpu.memory_space<vmem>>, vector<16xi32>,
        %get3A_128 = arith.constant 2 : i32
        %get3A_129 = arith.index_cast %get3A_128 : i32 to index
        %get3A_130 = arith.index_cast %mul3A_90 : i32 to index
        %get3A_131 = tpu.vector_load %arg8[%get3A_129, %get3A_130] {strides = array<i32>} : memref<16x256xf32, #tpu.memory_space<vmem>>, vector<16xf32>,
        %gather3A_132 = tpu.vector_load_idx %arg6[%get3A_127] : memref<100000xf32, #tpu.memory_space<vmem>>[vector<16xi32>], vector<16xf32>,
        %mul3A_133 = arith.mulf %get3A_131, %mul3A_123 : vector<16xf32>
        %mul3A_134 = arith.mulf %mul3A_133, %gather3A_132 : vector<16xf32>
        %add3A_135 = arith.addf %add3A_119, %mul3A_134 : vector<16xf32>
        %sub3A_136 = arith.constant 1.000000e+00 : f32
        %sub3A_137 = vector.broadcast %sub3A_136 : f32 to vector<16xf32>
        %sub3A_138 = arith.subf %sub3A_137, %get3A_131 : vector<16xf32>
        %mul3A_139 = arith.mulf %mul3A_123, %sub3A_138 : vector<16xf32>
        %get3A_140 = arith.constant 3 : i32
        %get3A_141 = arith.index_cast %get3A_140 : i32 to index
        %get3A_142 = arith.index_cast %mul3A_90 : i32 to index
        %get3A_143 = tpu.vector_load %arg7[%get3A_141, %get3A_142] {strides = array<i32>} : memref<16x256xi32, #tpu.memory_space<vmem>>, vector<16xi32>,
        %get3A_144 = arith.constant 3 : i32
        %get3A_145 = arith.index_cast %get3A_144 : i32 to index
        %get3A_146 = arith.index_cast %mul3A_90 : i32 to index
        %get3A_147 = tpu.vector_load %arg8[%get3A_145, %get3A_146] {strides = array<i32>} : memref<16x256xf32, #tpu.memory_space<vmem>>, vector<16xf32>,
        %gather3A_148 = tpu.vector_load_idx %arg6[%get3A_143] : memref<100000xf32, #tpu.memory_space<vmem>>[vector<16xi32>], vector<16xf32>,
        %mul3A_149 = arith.mulf %get3A_147, %mul3A_139 : vector<16xf32>
        %mul3A_150 = arith.mulf %mul3A_149, %gather3A_148 : vector<16xf32>
        %add3A_151 = arith.addf %add3A_135, %mul3A_150 : vector<16xf32>
        %sub3A_152 = arith.constant 1.000000e+00 : f32
        %sub3A_153 = vector.broadcast %sub3A_152 : f32 to vector<16xf32>
        %sub3A_154 = arith.subf %sub3A_153, %get3A_147 : vector<16xf32>
        %mul3A_155 = arith.mulf %mul3A_139, %sub3A_154 : vector<16xf32>
        %get3A_156 = arith.constant 4 : i32
        %get3A_157 = arith.index_cast %get3A_156 : i32 to index
        %get3A_158 = arith.index_cast %mul3A_90 : i32 to index
        %get3A_159 = tpu.vector_load %arg7[%get3A_157, %get3A_158] {strides = array<i32>} : memref<16x256xi32, #tpu.memory_space<vmem>>, vector<16xi32>,
        %get3A_160 = arith.constant 4 : i32
        %get3A_161 = arith.index_cast %get3A_160 : i32 to index
        %get3A_162 = arith.index_cast %mul3A_90 : i32 to index
        %get3A_163 = tpu.vector_load %arg8[%get3A_161, %get3A_162] {strides = array<i32>} : memref<16x256xf32, #tpu.memory_space<vmem>>, vector<16xf32>,
        %gather3A_164 = tpu.vector_load_idx %arg6[%get3A_159] : memref<100000xf32, #tpu.memory_space<vmem>>[vector<16xi32>], vector<16xf32>,
        %mul3A_165 = arith.mulf %get3A_163, %mul3A_155 : vector<16xf32>
        %mul3A_166 = arith.mulf %mul3A_165, %gather3A_164 : vector<16xf32>
        %add3A_167 = arith.addf %add3A_151, %mul3A_166 : vector<16xf32>
        %sub3A_168 = arith.constant 1.000000e+00 : f32
        %sub3A_169 = vector.broadcast %sub3A_168 : f32 to vector<16xf32>
        %sub3A_170 = arith.subf %sub3A_169, %get3A_163 : vector<16xf32>
        %mul3A_171 = arith.mulf %mul3A_155, %sub3A_170 : vector<16xf32>
        %get3A_172 = arith.constant 5 : i32
        %get3A_173 = arith.index_cast %get3A_172 : i32 to index
        %get3A_174 = arith.index_cast %mul3A_90 : i32 to index
        %get3A_175 = tpu.vector_load %arg7[%get3A_173, %get3A_174] {strides = array<i32>} : memref<16x256xi32, #tpu.memory_space<vmem>>, vector<16xi32>,
        %get3A_176 = arith.constant 5 : i32
        %get3A_177 = arith.index_cast %get3A_176 : i32 to index
        %get3A_178 = arith.index_cast %mul3A_90 : i32 to index
        %get3A_179 = tpu.vector_load %arg8[%get3A_177, %get3A_178] {strides = array<i32>} : memref<16x256xf32, #tpu.memory_space<vmem>>, vector<16xf32>,
        %gather3A_180 = tpu.vector_load_idx %arg6[%get3A_175] : memref<100000xf32, #tpu.memory_space<vmem>>[vector<16xi32>], vector<16xf32>,
        %mul3A_181 = arith.mulf %get3A_179, %mul3A_171 : vector<16xf32>
        %mul3A_182 = arith.mulf %mul3A_181, %gather3A_180 : vector<16xf32>
        %add3A_183 = arith.addf %add3A_167, %mul3A_182 : vector<16xf32>
        %sub3A_184 = arith.constant 1.000000e+00 : f32
        %sub3A_185 = vector.broadcast %sub3A_184 : f32 to vector<16xf32>
        %sub3A_186 = arith.subf %sub3A_185, %get3A_179 : vector<16xf32>
        %mul3A_187 = arith.mulf %mul3A_171, %sub3A_186 : vector<16xf32>
        %get3A_188 = arith.constant 6 : i32
        %get3A_189 = arith.index_cast %get3A_188 : i32 to index
        %get3A_190 = arith.index_cast %mul3A_90 : i32 to index
        %get3A_191 = tpu.vector_load %arg7[%get3A_189, %get3A_190] {strides = array<i32>} : memref<16x256xi32, #tpu.memory_space<vmem>>, vector<16xi32>,
        %get3A_192 = arith.constant 6 : i32
        %get3A_193 = arith.index_cast %get3A_192 : i32 to index
        %get3A_194 = arith.index_cast %mul3A_90 : i32 to index
        %get3A_195 = tpu.vector_load %arg8[%get3A_193, %get3A_194] {strides = array<i32>} : memref<16x256xf32, #tpu.memory_space<vmem>>, vector<16xf32>,
        %gather3A_196 = tpu.vector_load_idx %arg6[%get3A_191] : memref<100000xf32, #tpu.memory_space<vmem>>[vector<16xi32>], vector<16xf32>,
        %mul3A_197 = arith.mulf %get3A_195, %mul3A_187 : vector<16xf32>
        %mul3A_198 = arith.mulf %mul3A_197, %gather3A_196 : vector<16xf32>
        %add3A_199 = arith.addf %add3A_183, %mul3A_198 : vector<16xf32>
        %sub3A_200 = arith.constant 1.000000e+00 : f32
        %sub3A_201 = vector.broadcast %sub3A_200 : f32 to vector<16xf32>
        %sub3A_202 = arith.subf %sub3A_201, %get3A_195 : vector<16xf32>
        %mul3A_203 = arith.mulf %mul3A_187, %sub3A_202 : vector<16xf32>
        %get3A_204 = arith.constant 7 : i32
        %get3A_205 = arith.index_cast %get3A_204 : i32 to index
        %get3A_206 = arith.index_cast %mul3A_90 : i32 to index
        %get3A_207 = tpu.vector_load %arg7[%get3A_205, %get3A_206] {strides = array<i32>} : memref<16x256xi32, #tpu.memory_space<vmem>>, vector<16xi32>,
        %get3A_208 = arith.constant 7 : i32
        %get3A_209 = arith.index_cast %get3A_208 : i32 to index
        %get3A_210 = arith.index_cast %mul3A_90 : i32 to index
        %get3A_211 = tpu.vector_load %arg8[%get3A_209, %get3A_210] {strides = array<i32>} : memref<16x256xf32, #tpu.memory_space<vmem>>, vector<16xf32>,
        %gather3A_212 = tpu.vector_load_idx %arg6[%get3A_207] : memref<100000xf32, #tpu.memory_space<vmem>>[vector<16xi32>], vector<16xf32>,
        %mul3A_213 = arith.mulf %get3A_211, %mul3A_203 : vector<16xf32>
        %mul3A_214 = arith.mulf %mul3A_213, %gather3A_212 : vector<16xf32>
        %add3A_215 = arith.addf %add3A_199, %mul3A_214 : vector<16xf32>
        %sub3A_216 = arith.constant 1.000000e+00 : f32
        %sub3A_217 = vector.broadcast %sub3A_216 : f32 to vector<16xf32>
        %sub3A_218 = arith.subf %sub3A_217, %get3A_211 : vector<16xf32>
        %mul3A_219 = arith.mulf %mul3A_203, %sub3A_218 : vector<16xf32>
        %get3A_220 = arith.constant 8 : i32
        %get3A_221 = arith.index_cast %get3A_220 : i32 to index
        %get3A_222 = arith.index_cast %mul3A_90 : i32 to index
        %get3A_223 = tpu.vector_load %arg7[%get3A_221, %get3A_222] {strides = array<i32>} : memref<16x256xi32, #tpu.memory_space<vmem>>, vector<16xi32>,
        %get3A_224 = arith.constant 8 : i32
        %get3A_225 = arith.index_cast %get3A_224 : i32 to index
        %get3A_226 = arith.index_cast %mul3A_90 : i32 to index
        %get3A_227 = tpu.vector_load %arg8[%get3A_225, %get3A_226] {strides = array<i32>} : memref<16x256xf32, #tpu.memory_space<vmem>>, vector<16xf32>,
        %gather3A_228 = tpu.vector_load_idx %arg6[%get3A_223] : memref<100000xf32, #tpu.memory_space<vmem>>[vector<16xi32>], vector<16xf32>,
        %mul3A_229 = arith.mulf %get3A_227, %mul3A_219 : vector<16xf32>
        %mul3A_230 = arith.mulf %mul3A_229, %gather3A_228 : vector<16xf32>
        %add3A_231 = arith.addf %add3A_215, %mul3A_230 : vector<16xf32>
        %sub3A_232 = arith.constant 1.000000e+00 : f32
        %sub3A_233 = vector.broadcast %sub3A_232 : f32 to vector<16xf32>
        %sub3A_234 = arith.subf %sub3A_233, %get3A_227 : vector<16xf32>
        %mul3A_235 = arith.mulf %mul3A_219, %sub3A_234 : vector<16xf32>
        %get3A_236 = arith.constant 9 : i32
        %get3A_237 = arith.index_cast %get3A_236 : i32 to index
        %get3A_238 = arith.index_cast %mul3A_90 : i32 to index
        %get3A_239 = tpu.vector_load %arg7[%get3A_237, %get3A_238] {strides = array<i32>} : memref<16x256xi32, #tpu.memory_space<vmem>>, vector<16xi32>,
        %get3A_240 = arith.constant 9 : i32
        %get3A_241 = arith.index_cast %get3A_240 : i32 to index
        %get3A_242 = arith.index_cast %mul3A_90 : i32 to index
        %get3A_243 = tpu.vector_load %arg8[%get3A_241, %get3A_242] {strides = array<i32>} : memref<16x256xf32, #tpu.memory_space<vmem>>, vector<16xf32>,
        %gather3A_244 = tpu.vector_load_idx %arg6[%get3A_239] : memref<100000xf32, #tpu.memory_space<vmem>>[vector<16xi32>], vector<16xf32>,
        %mul3A_245 = arith.mulf %get3A_243, %mul3A_235 : vector<16xf32>
        %mul3A_246 = arith.mulf %mul3A_245, %gather3A_244 : vector<16xf32>
        %add3A_247 = arith.addf %add3A_231, %mul3A_246 : vector<16xf32>
        %sub3A_248 = arith.constant 1.000000e+00 : f32
        %sub3A_249 = vector.broadcast %sub3A_248 : f32 to vector<16xf32>
        %sub3A_250 = arith.subf %sub3A_249, %get3A_243 : vector<16xf32>
        %mul3A_251 = arith.mulf %mul3A_235, %sub3A_250 : vector<16xf32>
        %get3A_252 = arith.constant 10 : i32
        %get3A_253 = arith.index_cast %get3A_252 : i32 to index
        %get3A_254 = arith.index_cast %mul3A_90 : i32 to index
        %get3A_255 = tpu.vector_load %arg7[%get3A_253, %get3A_254] {strides = array<i32>} : memref<16x256xi32, #tpu.memory_space<vmem>>, vector<16xi32>,
        %get3A_256 = arith.constant 10 : i32
        %get3A_257 = arith.index_cast %get3A_256 : i32 to index
        %get3A_258 = arith.index_cast %mul3A_90 : i32 to index
        %get3A_259 = tpu.vector_load %arg8[%get3A_257, %get3A_258] {strides = array<i32>} : memref<16x256xf32, #tpu.memory_space<vmem>>, vector<16xf32>,
        %gather3A_260 = tpu.vector_load_idx %arg6[%get3A_255] : memref<100000xf32, #tpu.memory_space<vmem>>[vector<16xi32>], vector<16xf32>,
        %mul3A_261 = arith.mulf %get3A_259, %mul3A_251 : vector<16xf32>
        %mul3A_262 = arith.mulf %mul3A_261, %gather3A_260 : vector<16xf32>
        %add3A_263 = arith.addf %add3A_247, %mul3A_262 : vector<16xf32>
        %sub3A_264 = arith.constant 1.000000e+00 : f32
        %sub3A_265 = vector.broadcast %sub3A_264 : f32 to vector<16xf32>
        %sub3A_266 = arith.subf %sub3A_265, %get3A_259 : vector<16xf32>
        %mul3A_267 = arith.mulf %mul3A_251, %sub3A_266 : vector<16xf32>
        %get3A_268 = arith.constant 11 : i32
        %get3A_269 = arith.index_cast %get3A_268 : i32 to index
        %get3A_270 = arith.index_cast %mul3A_90 : i32 to index
        %get3A_271 = tpu.vector_load %arg7[%get3A_269, %get3A_270] {strides = array<i32>} : memref<16x256xi32, #tpu.memory_space<vmem>>, vector<16xi32>,
        %get3A_272 = arith.constant 11 : i32
        %get3A_273 = arith.index_cast %get3A_272 : i32 to index
        %get3A_274 = arith.index_cast %mul3A_90 : i32 to index
        %get3A_275 = tpu.vector_load %arg8[%get3A_273, %get3A_274] {strides = array<i32>} : memref<16x256xf32, #tpu.memory_space<vmem>>, vector<16xf32>,
        %gather3A_276 = tpu.vector_load_idx %arg6[%get3A_271] : memref<100000xf32, #tpu.memory_space<vmem>>[vector<16xi32>], vector<16xf32>,
        %mul3A_277 = arith.mulf %get3A_275, %mul3A_267 : vector<16xf32>
        %mul3A_278 = arith.mulf %mul3A_277, %gather3A_276 : vector<16xf32>
        %add3A_279 = arith.addf %add3A_263, %mul3A_278 : vector<16xf32>
        %sub3A_280 = arith.constant 1.000000e+00 : f32
        %sub3A_281 = vector.broadcast %sub3A_280 : f32 to vector<16xf32>
        %sub3A_282 = arith.subf %sub3A_281, %get3A_275 : vector<16xf32>
        %mul3A_283 = arith.mulf %mul3A_267, %sub3A_282 : vector<16xf32>
        %get3A_284 = arith.constant 12 : i32
        %get3A_285 = arith.index_cast %get3A_284 : i32 to index
        %get3A_286 = arith.index_cast %mul3A_90 : i32 to index
        %get3A_287 = tpu.vector_load %arg7[%get3A_285, %get3A_286] {strides = array<i32>} : memref<16x256xi32, #tpu.memory_space<vmem>>, vector<16xi32>,
        %get3A_288 = arith.constant 12 : i32
        %get3A_289 = arith.index_cast %get3A_288 : i32 to index
        %get3A_290 = arith.index_cast %mul3A_90 : i32 to index
        %get3A_291 = tpu.vector_load %arg8[%get3A_289, %get3A_290] {strides = array<i32>} : memref<16x256xf32, #tpu.memory_space<vmem>>, vector<16xf32>,
        %gather3A_292 = tpu.vector_load_idx %arg6[%get3A_287] : memref<100000xf32, #tpu.memory_space<vmem>>[vector<16xi32>], vector<16xf32>,
        %mul3A_293 = arith.mulf %get3A_291, %mul3A_283 : vector<16xf32>
        %mul3A_294 = arith.mulf %mul3A_293, %gather3A_292 : vector<16xf32>
        %add3A_295 = arith.addf %add3A_279, %mul3A_294 : vector<16xf32>
        %sub3A_296 = arith.constant 1.000000e+00 : f32
        %sub3A_297 = vector.broadcast %sub3A_296 : f32 to vector<16xf32>
        %sub3A_298 = arith.subf %sub3A_297, %get3A_291 : vector<16xf32>
        %mul3A_299 = arith.mulf %mul3A_283, %sub3A_298 : vector<16xf32>
        %get3A_300 = arith.constant 13 : i32
        %get3A_301 = arith.index_cast %get3A_300 : i32 to index
        %get3A_302 = arith.index_cast %mul3A_90 : i32 to index
        %get3A_303 = tpu.vector_load %arg7[%get3A_301, %get3A_302] {strides = array<i32>} : memref<16x256xi32, #tpu.memory_space<vmem>>, vector<16xi32>,
        %get3A_304 = arith.constant 13 : i32
        %get3A_305 = arith.index_cast %get3A_304 : i32 to index
        %get3A_306 = arith.index_cast %mul3A_90 : i32 to index
        %get3A_307 = tpu.vector_load %arg8[%get3A_305, %get3A_306] {strides = array<i32>} : memref<16x256xf32, #tpu.memory_space<vmem>>, vector<16xf32>,
        %gather3A_308 = tpu.vector_load_idx %arg6[%get3A_303] : memref<100000xf32, #tpu.memory_space<vmem>>[vector<16xi32>], vector<16xf32>,
        %mul3A_309 = arith.mulf %get3A_307, %mul3A_299 : vector<16xf32>
        %mul3A_310 = arith.mulf %mul3A_309, %gather3A_308 : vector<16xf32>
        %add3A_311 = arith.addf %add3A_295, %mul3A_310 : vector<16xf32>
        %sub3A_312 = arith.constant 1.000000e+00 : f32
        %sub3A_313 = vector.broadcast %sub3A_312 : f32 to vector<16xf32>
        %sub3A_314 = arith.subf %sub3A_313, %get3A_307 : vector<16xf32>
        %mul3A_315 = arith.mulf %mul3A_299, %sub3A_314 : vector<16xf32>
        %get3A_316 = arith.constant 14 : i32
        %get3A_317 = arith.index_cast %get3A_316 : i32 to index
        %get3A_318 = arith.index_cast %mul3A_90 : i32 to index
        %get3A_319 = tpu.vector_load %arg7[%get3A_317, %get3A_318] {strides = array<i32>} : memref<16x256xi32, #tpu.memory_space<vmem>>, vector<16xi32>,
        %get3A_320 = arith.constant 14 : i32
        %get3A_321 = arith.index_cast %get3A_320 : i32 to index
        %get3A_322 = arith.index_cast %mul3A_90 : i32 to index
        %get3A_323 = tpu.vector_load %arg8[%get3A_321, %get3A_322] {strides = array<i32>} : memref<16x256xf32, #tpu.memory_space<vmem>>, vector<16xf32>,
        %gather3A_324 = tpu.vector_load_idx %arg6[%get3A_319] : memref<100000xf32, #tpu.memory_space<vmem>>[vector<16xi32>], vector<16xf32>,
        %mul3A_325 = arith.mulf %get3A_323, %mul3A_315 : vector<16xf32>
        %mul3A_326 = arith.mulf %mul3A_325, %gather3A_324 : vector<16xf32>
        %add3A_327 = arith.addf %add3A_311, %mul3A_326 : vector<16xf32>
        %sub3A_328 = arith.constant 1.000000e+00 : f32
        %sub3A_329 = vector.broadcast %sub3A_328 : f32 to vector<16xf32>
        %sub3A_330 = arith.subf %sub3A_329, %get3A_323 : vector<16xf32>
        %mul3A_331 = arith.mulf %mul3A_315, %sub3A_330 : vector<16xf32>
        %get3A_332 = arith.constant 15 : i32
        %get3A_333 = arith.index_cast %get3A_332 : i32 to index
        %get3A_334 = arith.index_cast %mul3A_90 : i32 to index
        %get3A_335 = tpu.vector_load %arg7[%get3A_333, %get3A_334] {strides = array<i32>} : memref<16x256xi32, #tpu.memory_space<vmem>>, vector<16xi32>,
        %get3A_336 = arith.constant 15 : i32
        %get3A_337 = arith.index_cast %get3A_336 : i32 to index
        %get3A_338 = arith.index_cast %mul3A_90 : i32 to index
        %get3A_339 = tpu.vector_load %arg8[%get3A_337, %get3A_338] {strides = array<i32>} : memref<16x256xf32, #tpu.memory_space<vmem>>, vector<16xf32>,
        %gather3A_340 = tpu.vector_load_idx %arg6[%get3A_335] : memref<100000xf32, #tpu.memory_space<vmem>>[vector<16xi32>], vector<16xf32>,
        %mul3A_341 = arith.mulf %get3A_339, %mul3A_331 : vector<16xf32>
        %mul3A_342 = arith.mulf %mul3A_341, %gather3A_340 : vector<16xf32>
        %add3A_343 = arith.addf %add3A_327, %mul3A_342 : vector<16xf32>
        %swap3A = arith.index_cast %mul3A_90 : i32 to index
        %swap3A_344 = tpu.vector_load %arg9[%swap3A] {strides = array<i32>} : memref<256xf32, #tpu.memory_space<vmem>>, vector<16xf32>,
        tpu.vector_store %arg9[%swap3A], %add3A_343 {strides = array<i32>} : memref<256xf32, #tpu.memory_space<vmem>>, vector<16xf32>,
      }
      %scan3A_87 = arith.constant 16 : i32
      "tpu.region"() ({
        %run_scoped3A = tpu.sem_alloc : memref<!tpu.dma_semaphore, #tpu.memory_space<semaphore_mem>>
        %dma_start3A = tpu.memref_slice %arg5[%select_n3A_56, %select_n3A_9, %add3A_81] : memref<4x4x65536xf32, #tpu.memory_space<hbm>> -> memref<1x1x256xf32, #tpu.memory_space<hbm>>
        %dma_start3A_88 = tpu.memref_squeeze %dma_start3A : memref<1x1x256xf32, #tpu.memory_space<hbm>> -> memref<256xf32, #tpu.memory_space<hbm>>
        %dma_start3A_89 = tpu.memref_slice %arg5[%select_n3A_56, %select_n3A_9, %add3A_81] : memref<4x4x65536xf32, #tpu.memory_space<hbm>> -> memref<1x1x256xf32, #tpu.memory_space<hbm>>
        %dma_start3A_90 = tpu.memref_squeeze %dma_start3A_89 : memref<1x1x256xf32, #tpu.memory_space<hbm>> -> memref<256xf32, #tpu.memory_space<hbm>>
        tpu.enqueue_dma source(%arg9 : memref<256xf32, #tpu.memory_space<vmem>>) target(%dma_start3A_90 : memref<256xf32, #tpu.memory_space<hbm>>) target_semaphore(%run_scoped3A : memref<!tpu.dma_semaphore, #tpu.memory_space<semaphore_mem>>)
        %dma_wait3A = tpu.memref_slice %arg5[%select_n3A_56, %select_n3A_9, %add3A_81] : memref<4x4x65536xf32, #tpu.memory_space<hbm>> -> memref<1x1x256xf32, #tpu.memory_space<hbm>>
        %dma_wait3A_91 = tpu.memref_squeeze %dma_wait3A : memref<1x1x256xf32, #tpu.memory_space<hbm>> -> memref<256xf32, #tpu.memory_space<hbm>>
        %dma_wait3A_92 = tpu.memref_slice %arg5[%select_n3A_56, %select_n3A_9, %add3A_81] : memref<4x4x65536xf32, #tpu.memory_space<hbm>> -> memref<1x1x256xf32, #tpu.memory_space<hbm>>
        %dma_wait3A_93 = tpu.memref_squeeze %dma_wait3A_92 : memref<1x1x256xf32, #tpu.memory_space<hbm>> -> memref<256xf32, #tpu.memory_space<hbm>>
        tpu.wait_dma2 semaphore(%run_scoped3A : memref<!tpu.dma_semaphore, #tpu.memory_space<semaphore_mem>>) src(%arg9 : memref<256xf32, #tpu.memory_space<vmem>>) dst(%dma_wait3A_93 : memref<256xf32, #tpu.memory_space<hbm>>)
        tpu.yield
      }) : () -> ()
    }
    %scan3A_77 = arith.constant 128 : i32
    return
  }
}

</mosaic_0001>

<sc_bundles>
// kernel: kernel.3.cloned.1.call-start
scs
__scs_entry_jumppad:
0x0: {  	(pc) =	sbr.rel $0x88, $3  }
0x1: {  	(tag) =	ssettag $0x0;
	lr =	simm.s32 $0x1  }
0x2: {  	[smem:$0x3F9E] =	sst lr;
	_ =	strace $0xD0000000  }
0x3: {  	_ = 	snop  }
0x4: {  	_ = 	snop  }
0x5: {  	_ = 	snop  }
0x6: {  	_ = 	snop  }
0x7: {  	_ = 	snop  }
__scs_overlays_trampoline_lowered:
0x8: {  	[smem:$0x3FAD] =	sst s0  }
0x9: {  	[smem:$0x3FAE] =	sst s1  }
0xa: {  	[smem:$0x3FAF] =	sst s2  }
0xb: {  	[smem:$0x3FB0] =	sst s3  }
0xc: {  	[smem:$0x3FB1] =	sst s4  }
0xd: {  	[smem:$0x3FB2] =	sst s5  }
0xe: {  	[smem:$0x3FB3] =	sst s6  }
0xf: {  	[smem:$0x3FB4] =	sst s7  }
0x10: {  	[smem:$0x3FB5] =	sst s8  }
0x11: {  	[smem:$0x3FB6] =	sst s9;
	s0 =	simm.s32 @!p0 $0x0  }
0x12: {  	s1 =	sld [smem:$0x3F9C];
	s0 =	simm.s32 @p0 $0x1  }
0x13: {  	[smem:$0x3FB7] =	sst s0;
	s0 =	simm.s32 @!p1 $0x0  }
0x14: {  	s2 =	sld [smem:$0x3F9B];
	s0 =	simm.s32 @p1 $0x1  }
0x15: {  	[smem:$0x3FB8] =	sst s0;
	s0 =	simm.s32 @!p2 $0x0  }
0x16: {  	s3 =	sld [smem:$0x3FDB];
	s0 =	simm.s32 @p2 $0x1  }
0x17: {  	s4 =	simm.s32 $0x1BF5;
	[smem:$0x3FBA] =	sst s0  }
0x18: {  	s0 =	sld [smem:$0x3F9D];
	_ =	swait.ge [sflag:s4], $0x0  }
0x19: {  	s7 =	sld [smem:$0x3F9E]  }
0x1a: {  	s8 =	sadd.s32 $0xFFFFE003, lr  }
0x1b: {  	s9 =	sadd.s32 $0xFFFFFEF7, lr;
	s5 =	simm.s32 $0xFFFFFFFF;
	p2 =	slt.u32 s8, $0xFFFFF086  }
0x1c: {  	p1 =	slt.u32 s9, $0xF7A;
	s5 =	simm.s32 @!p2 $0x0  }
0x1d: {  	s5 =	simm.s32 @p1 $0x1;
	p0 =	seq.s32 s7, s2  }
0x1e: {  	s7 =	smul.u32 @!p0 $0xF7A, s2;
	p2 =	seq.s32 @!p0 s5, $0x0  }
0x1f: {  	s9 =	smul.u32 $0xF7A, s1;
	s8 =	simm.s32 @!p0 $0x1BF5;
	p2 =	por !p2, p0  }
0x20: {  	[sflag:s8] =	ssyncset.s32 @!p0 $0xFFFFF086;
	s6 =	sadd.s32 @!p0 s3, s7;
	s7 =	simm.s32 @!p0 $0x108  }
0x21: {  	s3 =	sadd.s32 s3, s9;
	s6 =	sadd.s32 @!p0 $0x88, s6;
	s7 =	simm.s32 @p2 $0x1082  }
0x22: {  	[simem:s7], [sflag:s8] =	dma.local @!p0 [hbm:s6], $0xF7A  }
0x23: {  	s9 =	sor.u32 $0xD0000000, s2;
	s6 =	simm.s32 $0x108;
	_ =	swait.ge @!p0 [sflag:s8], $0x0  }
0x24: {  	s3 =	sadd.s32 $0x88, s3;
	s6 =	simm.s32 @!p1 $0x1082;
	[sflag:s4] =	ssyncset.s32 $0xFFFFF086  }
0x25: {  	[simem:s6], [sflag:s4] =	dma.local [hbm:s3], $0xF7A  }
0x26: {  	[smem:$0x3F9E] =	sst s1;
	(tag) =	ssettag s2;
	_ =	strace s9  }
0x27: {  	s1 =	sld [smem:$0x3FAE]  }
0x28: {  	s2 =	sld [smem:$0x3FAF]  }
0x29: {  	s4 =	sld [smem:$0x3FB1]  }
0x2a: {  	p0 =	seq.s32 s5, $0x0;
	s5 =	sld [smem:$0x3FB2]  }
0x2b: {  	s6 =	sld [smem:$0x3FB3]  }
0x2c: {  	s7 =	sld [smem:$0x3FB4]  }
0x2d: {  	s3 =	simm.s32 $0x108;
	s8 =	sld [smem:$0x3FB5]  }
0x2e: {  	s3 =	simm.s32 @!p0 $0x1082;
	s9 =	sld [smem:$0x3FB6]  }
0x2f: {  	lr =	sadd.s32 s0, s3;
	s0 =	sld [smem:$0x3FAD]  }
0x30: {  	s3 =	sld [smem:$0x3FB0]  }
0x31: {  	[smem:$0x3FB9] =	sst s10  }
0x32: {  	s10 =	sld [smem:$0x3FB7];
	_ =	sdelay $0x3  }
0x33: {  	p0 =	seq.s32 s10, $0x1;
	s10 =	sld [smem:$0x3FB9];
	_ =	sdelay $0x3  }
0x34: {  	[smem:$0x3FB9] =	sst s10  }
0x35: {  	s10 =	sld [smem:$0x3FB8];
	_ =	sdelay $0x3  }
0x36: {  	p1 =	seq.s32 s10, $0x1;
	s10 =	sld [smem:$0x3FB9];
	_ =	sdelay $0x3  }
0x37: {  	[smem:$0x3FB9] =	sst s10  }
0x38: {  	s10 =	sld [smem:$0x3FBA]  }
0x39: {  	_ = 	snop;
	(pc) =	sbr.ind lr, $3  }
0x3a: {  	_ = 	snop  }
0x3b: {  	_ = 	snop  }
0x3c: {  	p2 =	seq.s32 s10, $0x1;
	s10 =	sld [smem:$0x3FB9]  }
0x3d: {  	_ =	shalt  }
0x3e: {  	_ =	shalt  }
0x3f: {  	_ =	shalt  }
0x40: {  	_ =	shalt  }
0x41: {  	_ =	shalt  }
0x42: {  	_ =	shalt  }
0x43: {  	_ =	shalt  }
0x44: {  	_ =	shalt  }
0x45: {  	_ =	shalt  }
0x46: {  	_ =	shalt  }
0x47: {  	_ =	shalt  }
0x48: {  	_ =	shalt  }
0x49: {  	_ =	shalt  }
0x4a: {  	_ =	shalt  }
0x4b: {  	_ =	shalt  }
0x4c: {  	_ =	shalt  }
0x4d: {  	_ =	shalt  }
0x4e: {  	_ =	shalt  }
0x4f: {  	_ =	shalt  }
0x50: {  	_ =	shalt  }
0x51: {  	_ =	shalt  }
0x52: {  	_ =	shalt  }
0x53: {  	_ =	shalt  }
0x54: {  	_ =	shalt  }
0x55: {  	_ =	shalt  }
0x56: {  	_ =	shalt  }
0x57: {  	_ =	shalt  }
0x58: {  	_ =	shalt  }
0x59: {  	_ =	shalt  }
0x5a: {  	_ =	shalt  }
0x5b: {  	_ =	shalt  }
0x5c: {  	_ =	shalt  }
0x5d: {  	_ =	shalt  }
0x5e: {  	_ =	shalt  }
0x5f: {  	_ =	shalt  }
0x60: {  	_ =	shalt  }
0x61: {  	_ =	shalt  }
0x62: {  	_ =	shalt  }
0x63: {  	_ =	shalt  }
0x64: {  	_ =	shalt  }
0x65: {  	_ =	shalt  }
0x66: {  	_ =	shalt  }
0x67: {  	_ =	shalt  }
0x68: {  	_ =	shalt  }
0x69: {  	_ =	shalt  }
0x6a: {  	_ =	shalt  }
0x6b: {  	_ =	shalt  }
0x6c: {  	_ =	shalt  }
0x6d: {  	_ =	shalt  }
0x6e: {  	_ =	shalt  }
0x6f: {  	_ =	shalt  }
0x70: {  	_ =	shalt  }
0x71: {  	_ =	shalt  }
0x72: {  	_ =	shalt  }
0x73: {  	_ =	shalt  }
0x74: {  	_ =	shalt  }
0x75: {  	_ =	shalt  }
0x76: {  	_ =	shalt  }
0x77: {  	_ =	shalt  }
0x78: {  	_ =	shalt  }
0x79: {  	_ =	shalt  }
0x7a: {  	_ =	shalt  }
0x7b: {  	_ =	shalt  }
0x7c: {  	_ =	shalt  }
0x7d: {  	_ =	shalt  }
0x7e: {  	_ =	shalt  }
0x7f: {  	_ =	shalt  }
0x80: {  	_ =	shalt  }
0x81: {  	_ =	shalt  }
0x82: {  	_ =	shalt  }
0x83: {  	_ =	shalt  }
0x84: {  	_ =	shalt  }
0x85: {  	_ =	shalt  }
0x86: {  	_ =	shalt  }
0x87: {  	_ =	shalt  }
.Lfunc_end0:
.L_simem_size_0:
called_computation_lowered:
.L_overlay_start_0:
0x88: {  	s2 =	sld [smem:$0x3FD9]  }
0x89: {  	s3 =	sld [smem:$0x3FFE];
	_ =	sdelay $0x1  }
0x8a: {  	s1 =	srdreg.scid  }
0x8b: {  	s0 =	sand.u32 $0x1, s1  }
0x8c: {  	s17 =	sshll.u32 s0, $0xA;
	s2 =	sadd.s32 s3, s2  }
0x8d: {  	s2 =	sadd.s32 s2, s17  }
0x8e: {  	[smem:$0x3FC5] =	sst s2  }
0x8f: {  	_ = 	snop  }
0x90: {  	s2 =	sld [smem:$0x3FC7];
	(tm) =	ssettm $0x1  }
0x91: {  	s18 =	sld [smem:$0x3FFB];
	_ =	sdelay $0x3  }
0x92: {  	_ =	strace s18  }
0x93: {  	s3 =	sld [smem:$0x3FFC];
	_ =	sdelay $0x3  }
0x94: {  	_ =	strace s3  }
0x95: {  	s3 =	sld [smem:$0x3FFD];
	_ =	sdelay $0x3  }
0x96: {  	_ =	strace s3  }
0x97: {  	_ =	strace $0x8FFFFFFF  }
0x98: {  	s19 =	sld [smem:$0x3FDB];
	_ =	sdelay $0x1  }
0x99: {  	s4 =	simm.s32 $_scs_section_size  }
0x9a: {  	s5 =	simm.s32 $_size__tile_overlayer_lowered;
	s6 =	simm.s32 $_tile_overlayer_lowered  }
0x9b: {  	s22 =	simm.s32 $0x1BFF;
	s21 =	sshll.u32 s6, $0x1;
	s3 =	sadd.s32 s4, s19  }
0x9c: {  	s7 =	simm.s32 $0x0;
	s20 =	sshll.u32 s5, $0x1;
	s5 =	sadd.s32 s21, s3  }
0x9d: {  	[timem:s7], [sflag:s22] =	dma.local [hbm:s5], s20  }
0x9e: {  	_ =	swait.ge [sflag:s22], s20  }
0x9f: {  	s4 =	ssub.s32 $0x0, s20;
	[sflag:s22] =	ssyncset.done $0x0  }
0xa0: {  	[sflag:s22] =	ssyncadd.s32 s4;
	_ =	sdelay $0x1  }
0xa1: {  	s23 =	simm.s32 $0x1B8B  }
0xa2: {  	_ =	swait.ge [sflag:s23], $0x1  }
0xa3: {  	[sflag:s23] =	ssyncset.done $0x0  }
0xa4: {  	s25 =	simm.s32 $0x1B8E;
	s24 =	sld [smem:$0x3FFE];
	[sflag:s23] =	ssyncadd.s32 $0xFFFFFFFF  }
0xa5: {  	s26 =	simm.s32 $execute0_lowered;
	[smem:$0x3FD2] =	sst s25  }
0xa6: {  	s5 =	sshll.u32 s26, $0x1;
	_ =	strace $0x80000046;
	[dreg:$0x1] =	wrdreg $0xFFFFFFFF  }
0xa7: {  	s28 =	simm.s32 $_size_execute0_lowered;
	s3 =	sadd.s32 s3, s5;
	[dreg:$0x0] =	wrdreg $0x0  }
0xa8: {  	s5 =	sshll.u32 s28, $0x1;
	[dreg:$0x2] =	wrdreg s3  }
0xa9: {  	[dreg:$0x3] =	wrdreg s5  }
0xaa: {  	[dreg:$0x4] =	wrdreg $0xC0  }
0xab: {  	_ =	task [dreg:s7], $0x5FFFF  }
0xac: {  	[dreg:$0x1] =	wrdreg $0xFFFFFFFF  }
0xad: {  	[dreg:$0x0] =	wrdreg $0x60  }
0xae: {  	[dreg:$0x2] =	wrdreg s24  }
0xaf: {  	[dreg:$0x3] =	wrdreg s2  }
0xb0: {  	[dreg:$0x4] =	wrdreg $0x9  }
0xb1: {  	_ =	task.clear_ibuf [dreg:s7], $0x5FFFF;
	_ =	strace $0x90000046  }
0xb2: {  	s29 =	simm.s32 $0x9;
	_ =	strace $0x80000048  }
0xb3: {  	_ =	swait.ge [sflag:s29], $0x1  }
0xb4: {  	[sflag:s29] =	ssyncadd.s32 $0xFFFFFFFF  }
0xb5: {  	_ =	strace $0x90000048  }
0xb6: {  	_ =	sfence  }
0xb7: {  	s30 =	sld [smem:$0x0];
	_ =	sdelay $0x2  }
0xb8: {  	s31 =	sshll.u32 s1, $0xD;
	s1 =	sshrl.u32 s1, $0x2  }
0xb9: {  	s3 =	sand.u32 $0x4000, s31;
	s1 =	sadd.s32 s1, s30  }
0xba: {  	s0 =	sor.u32 s3, s0;
	s1 =	sshll.u32 s1, $0x11  }
0xbb: {  	s0 =	sor.u32 s1, s0  }
0xbc: {  	s0 =	sadd.s32 $0x8F2B, s0  }
0xbd: {  	[sflag:s0] =	ssyncadd.remote.s32 $0x1  }
0xbe: {  	_ =	sfence.sel $0xFFFF  }
0xbf: {  	[dreg:$0x0] =	wrdreg $0xFFFFFFFF;
	(pc) =	sbr.abs _section_cstart, $3  }
0xc0: {  	[dreg:$0x1] =	wrdreg $0xFFFFFFFF  }
0xc1: {  	_ =	task.clear_ibuf [dreg:s7], $0x2FFFF;
	_ =	strace $0x9FFFFFFF  }
0xc2: {  	(tm) =	ssettm $0x7FFFFFFF  }
0xc3: {  	_ =	shalt  }
tec
execute0_lowered:
.L_overlay_start_1:
0x0: {  	(tag) =	ssettag $0x1  }
0x1: {  	s0 =	rddreg [dreg:$0x0]  }
0x2: {  	s7 =	rddreg [dreg:$0x1];
	s1 =	simm.s32 $0x0;
	s4 =	srdreg.scid  }
0x3: {  	s2 =	stileid.u32;
	s12 =	simm.s32 $0x200;
	s13 =	simm.s32 $0x1  }
0x4: {  	s14 =	simm.s32 $0x800;
	s15 =	simm.s32 $0x80000;
	s16 =	simm.s32 $0x18700  }
0x5: {  	s17 =	simm.s32 $0x19700;
	s18 =	simm.s32 $0x1A700;
	s19 =	simm.s32 $0x0  }
0x6: {  	[smem:$0x7FF] =	sst s1;
	s3 =	sadd.s32 $0x600, s0;
	s6 =	sand.u32 $0x1, s4  }
0x7: {  	s4 =	sadd.s32 $0x80600, s0;
	s9 =	sshll.u32 s2, $0x1;
	s5 =	sadd.s32 $0x100600, s0  }
0x8: {  	s28 =	sshll.u32 s2, $0xE;
	s29 =	sshrl.u32 s2, $0x2;
	_ =	strace $0x80000047  }
0x9: {  	s8 =	ssub.s32 $0x2, s6;
	s9 =	sand.u32 $0x2, s9;
	s31 =	sshll.u32 s29, $0x12  }
0xa: {  	s25 =	sshrl.u32 s8, $0x1;
	s26 =	sor.u32 s6, s9;
	s6 =	sand.u32 $0x8000, s28  }
0xb: {  	s0 =	ssub.s32 s8, s25;
	s10 =	sshll.u32 s26, $0x4;
	s11 =	sshll.u32 s26, $0x7  }
0xc: {  	s8 =	sshll.u32 s29, $0x11;
	s30 =	sadd.s32 s7, s10;
	s9 =	sor.u32 s11, s31  }
0xd: {  	s10 =	smax.u32 s0, $0x1;
	s11 =	simm.s32 $0x80;
	[dreg:$0x3] =	wrdreg s30  }
.LBB2_1:
0xe: {  	s0 =	rddreg [dreg:$0x3]  }
0xf: {  	[tilespmem:s1], [sflag:$0x1] =	stream.strided.gather [hbm4b:s0+s11], $0x18700, s12, s11, $0x38;
	[tilespmem:$0x1A800] =	vst v63  }
0x10: {  	_ =	swait.ge [sflag:s13], $0x18700  }
0x11: {  	[sflag:s13] =	ssyncset.done $0x0  }
0x12: {  	s20 =	simm.s32 $0x0;
	[sflag:s13] =	ssyncadd.s32 $0xFFFE7900  }
.LBB2_2:
0x13: {  	s0 =	sshll.u32 s20, $0x8  }
0x14: {  	s21 =	sadd.s32 s6, s0  }
0x15: {  	s0 =	sadd.s32 s8, s21  }
0x16: {  	s22 =	sadd.s32 s3, s0  }
0x17: {  	[tilespmem:s16], [sflag:$0x1] =	stream.strided.gather [hbm4b:s22+s14], $0x1000, s15, s14, $0x38;
	[tilespmem:$0x1A800] =	vst v63  }
0x18: {  	_ =	swait.ge [sflag:s13], $0x1000  }
0x19: {  	[sflag:s13] =	ssyncset.done $0x0  }
0x1a: {  	s25 =	simm.s32 $0x0;
	s0 =	sadd.s32 s4, s0;
	[sflag:s13] =	ssyncadd.s32 $0xFFFFF000  }
0x1b: {  	[tilespmem:s17], [sflag:$0x1] =	stream.strided.gather [hbm4b:s0+s14], $0x1000, s15, s14, $0x38;
	[tilespmem:$0x1A800] =	vst v63  }
0x1c: {  	s23 =	sand.u32 $0x70, s25;
	_ =	swait.ge [sflag:s13], $0x1000  }
0x1d: {  	s26 =	sor.u32 s25, s25;
	s24 =	sand.u32 $0xFFFFFC00, s25;
	[sflag:s13] =	ssyncset.done $0x0  }
0x1e: {  	s2 =	sor.u32 $0xB80, s26;
	s0 =	sand.u32 $0x400, s25;
	[sflag:s13] =	ssyncadd.s32 $0xFFFFF000  }
0x1f: {  	s7 =	sadd.s32 $0x0, s24;
	s23 =	sor.u32 s23, s0;
	v0 =	vld [tilespmem:s2+$0x18700]  }
0x20: {  	s24 =	sor.u32 $0xA80, s7;
	v1 =	vld [tilespmem:s23+$0x19200]  }
0x21: {  	v2 =	vld [tilespmem:s24+$0x18700]  }
0x22: {  	s25 =	sor.u32 $0x980, s7;
	v3 =	vld [tilespmem:s23+$0x19100]  }
0x23: {  	v4 =	vld [tilespmem:s25+$0x18700]  }
0x24: {  	s28 =	sor.u32 $0x880, s7;
	v5 =	vld [tilespmem:s23+$0x19000]  }
0x25: {  	v6 =	vld [tilespmem:s28+$0x18700]  }
0x26: {  	s26 =	sor.u32 $0x380, s26;
	v7 =	vld [tilespmem:s23+$0x18F00]  }
0x27: {  	v8 =	vld [tilespmem:s26+$0x18700]  }
0x28: {  	v9 =	vld [tilespmem:s23+$0x18A00]  }
0x29: {  	s29 =	sor.u32 $0x280, s7;
	v10 =	vld [tilespmem:s23+$0x18700]  }
0x2a: {  	s30 =	sor.u32 $0x80, s7;
	v11 =	vld [tilespmem:s29+$0x18700]  }
0x2b: {  	v12 =	vld [tilespmem:s30+$0x18700]  }
0x2c: {  	v13 =	vld [tilespmem:s23+$0x18900]  }
0x2d: {  	v14 =	vld [tilespmem:s23+$0x18800]  }
0x2e: {  	v15 =	vld [tilespmem:s30+$0x19700]  }
0x2f: {  	s0 =	sor.u32 $0x180, s7;
	v16 =	vld [tilespmem:s23+$0x19700]  }
0x30: {  	v17 =	vld [tilespmem:s0+$0x18700]  }
0x31: {  	v18 =	vld [tilespmem:s23+$0x19800]  }
0x32: {  	v10 =	vld.idx.msk [tilespmem:v10+s1+$0x0], $0xffff  }
0x33: {  	v19 =	vld [tilespmem:s0+$0x19700]  }
0x34: {  	v20 =	vsub.f32 $1.000000000e+00, v16;
	v21 =	vsub.f32 $1.000000000e+00, v15;
	v12 =	vld.idx.msk [tilespmem:v12+s1+$0x0], $0xffff  }
0x35: {  	v22 =	vld [tilespmem:s23+$0x19900]  }
0x36: {  	v23 =	vsub.f32 $1.000000000e+00, v18;
	v21 =	vmul.f32 v21, v20;
	v14 =	vld.idx.msk [tilespmem:v14+s1+$0x0], $0xffff  }
0x37: {  	v30 =	vld [tilespmem:s29+$0x19700];
	v15 =	vmul.f32 v15, v20;
	v10 =	vmul.f32 v10, v16  }
0x38: {  	v32 =	vsub.f32 $1.000000000e+00, v19;
	v17 =	vld.idx.msk [tilespmem:v17+s1+$0x0], $0xffff;
	v31 =	vmul.f32 v23, v21  }
0x39: {  	v34 =	vld [tilespmem:s23+$0x19A00];
	v33 =	vmul.f32 v18, v21;
	v12 =	vmul.f32 v12, v15;
	v10 =	vadd.f32 $0.0e+00, v10  }
0x3a: {  	v36 =	vsub.f32 $1.000000000e+00, v22;
	v13 =	vld.idx.msk [tilespmem:v13+s1+$0x0], $0xffff;
	v35 =	vmul.f32 v32, v31  }
0x3b: {  	v39 =	vld [tilespmem:s26+$0x19700];
	v38 =	vmul.f32 v19, v31;
	v37 =	vmul.f32 v14, v33;
	v10 =	vadd.f32 v12, v10  }
0x3c: {  	v41 =	vsub.f32 $1.000000000e+00, v30;
	v11 =	vld.idx.msk [tilespmem:v11+s1+$0x0], $0xffff;
	v40 =	vmul.f32 v36, v35  }
0x3d: {  	v44 =	vld [tilespmem:s23+$0x19F00];
	v42 =	vmul.f32 v17, v38;
	v43 =	vmul.f32 v22, v35;
	v10 =	vadd.f32 v37, v10  }
0x3e: {  	v45 =	vsub.f32 $1.000000000e+00, v34;
	v9 =	vld.idx.msk [tilespmem:v9+s1+$0x0], $0xffff;
	v20 =	vmul.f32 v41, v40  }
0x3f: {  	v48 =	vld [tilespmem:s28+$0x19700];
	v46 =	vmul.f32 v13, v43;
	v47 =	vmul.f32 v30, v40;
	v10 =	vadd.f32 v42, v10  }
0x40: {  	v50 =	vsub.f32 $1.000000000e+00, v39;
	v8 =	vld.idx.msk [tilespmem:v8+s1+$0x0], $0xffff;
	v49 =	vmul.f32 v45, v20  }
0x41: {  	v52 =	vld [tilespmem:s23+$0x1A000];
	v11 =	vmul.f32 v11, v47;
	v51 =	vmul.f32 v34, v20;
	v10 =	vadd.f32 v46, v10  }
0x42: {  	v54 =	vsub.f32 $1.000000000e+00, v44;
	v7 =	vld.idx.msk [tilespmem:v7+s1+$0x0], $0xffff;
	v53 =	vmul.f32 v50, v49  }
0x43: {  	v55 =	vld [tilespmem:s25+$0x19700];
	v9 =	vmul.f32 v9, v51;
	v10 =	vadd.f32 v11, v10;
	v11 =	vmul.f32 v39, v49  }
0x44: {  	v57 =	vsub.f32 $1.000000000e+00, v48;
	v6 =	vld.idx.msk [tilespmem:v6+s1+$0x0], $0xffff;
	v56 =	vmul.f32 v54, v53  }
0x45: {  	v9 =	vadd.f32 v9, v10;
	v8 =	vmul.f32 v8, v11;
	v10 =	vmul.f32 v44, v53;
	v11 =	vld [tilespmem:s23+$0x1A100]  }
0x46: {  	v58 =	vsub.f32 $1.000000000e+00, v52;
	v5 =	vld.idx.msk [tilespmem:v5+s1+$0x0], $0xffff;
	v16 =	vmul.f32 v57, v56  }
0x47: {  	v8 =	vadd.f32 v8, v9;
	v7 =	vmul.f32 v7, v10;
	v9 =	vmul.f32 v48, v56;
	v10 =	vld [tilespmem:s24+$0x19700]  }
0x48: {  	v60 =	vsub.f32 $1.000000000e+00, v55;
	v4 =	vld.idx.msk [tilespmem:v4+s1+$0x0], $0xffff;
	v59 =	vmul.f32 v58, v16  }
0x49: {  	v7 =	vadd.f32 v7, v8;
	v6 =	vmul.f32 v6, v9;
	v8 =	vmul.f32 v52, v16;
	v9 =	vld [tilespmem:s23+$0x1A200]  }
0x4a: {  	v3 =	vld.idx.msk [tilespmem:v3+s1+$0x0], $0xffff;
	v61 =	vmul.f32 v60, v59;
	v62 =	vsub.f32 $1.000000000e+00, v11  }
0x4b: {  	v2 =	vld.idx.msk [tilespmem:v2+s1+$0x0], $0xffff;
	v6 =	vadd.f32 v6, v7;
	v5 =	vmul.f32 v5, v8;
	v7 =	vmul.f32 v55, v59  }
0x4c: {  	v8 =	vmul.f32 v62, v61;
	v63 =	vsub.f32 $1.000000000e+00, v10  }
0x4d: {  	v1 =	vld.idx.msk [tilespmem:v1+s1+$0x0], $0xffff;
	v5 =	vadd.f32 v5, v6;
	v4 =	vmul.f32 v4, v7;
	v6 =	vmul.f32 v11, v61  }
0x4e: {  	v11 =	vld [tilespmem:s2+$0x19700];
	v7 =	vmul.f32 v10, v8;
	v10 =	vsub.f32 $1.000000000e+00, v9  }
0x4f: {  	v4 =	vadd.f32 v4, v5;
	v3 =	vmul.f32 v3, v6;
	v5 =	vmul.f32 v63, v8  }
0x50: {  	v0 =	vld.idx.msk [tilespmem:v0+s1+$0x0], $0xffff;
	v2 =	vmul.f32 v2, v7  }
0x51: {  	v3 =	vadd.f32 v3, v4;
	v4 =	vmul.f32 v9, v5;
	v5 =	vmul.f32 v10, v5;
	_ =	sdelay $0x1  }
0x52: {  	v2 =	vadd.f32 v2, v3;
	v1 =	vmul.f32 v1, v4;
	v3 =	vmul.f32 v11, v5;
	_ =	sdelay $0x1  }
0x53: {  	v1 =	vadd.f32 v1, v2;
	v0 =	vmul.f32 v0, v3;
	_ =	sdelay $0x1  }
0x54: {  	s26 =	simm.s32 $0x80;
	s24 =	simm.s32 $0x10;
	v0 =	vadd.f32 v0, v1  }
0x55: {  	s22 =	simm.s32 $0x1A700;
	s7 =	sand.u32 $0x400, s26;
	s28 =	sor.u32 s24, s26  }
0x56: {  	s25 =	sand.u32 $0x70, s24;
	s23 =	sor.u32 $0xB80, s28;
	s2 =	sand.u32 $0xFFFFFC00, s26;
	[tilespmem:s22+$0x0] =	vst v0  }
0x57: {  	s24 =	sor.u32 s25, s7;
	s0 =	sadd.s32 $0x10, s2;
	v0 =	vld [tilespmem:s23+$0x18700]  }
0x58: {  	s25 =	sor.u32 $0xA80, s0;
	v1 =	vld [tilespmem:s24+$0x19200]  }
0x59: {  	v2 =	vld [tilespmem:s25+$0x18700]  }
0x5a: {  	s29 =	sor.u32 $0x980, s0;
	v3 =	vld [tilespmem:s24+$0x19100]  }
0x5b: {  	v4 =	vld [tilespmem:s29+$0x18700]  }
0x5c: {  	s30 =	sor.u32 $0x880, s0;
	v5 =	vld [tilespmem:s24+$0x19000]  }
0x5d: {  	v6 =	vld [tilespmem:s30+$0x18700]  }
0x5e: {  	s31 =	sor.u32 $0x380, s28;
	v7 =	vld [tilespmem:s24+$0x18F00]  }
0x5f: {  	v8 =	vld [tilespmem:s31+$0x18700]  }
0x60: {  	s28 =	simm.s32 $0x20;
	v9 =	vld [tilespmem:s24+$0x18A00]  }
.LBB2_3:
0x61: {  	p0 =	sne.s32 s28, $0xF0;
	v10 =	vld [tilespmem:s24+$0x18700];
	s2 =	sor.u32 $0x280, s0  }
0x62: {  	s7 =	sor.u32 $0x80, s0;
	v11 =	vld [tilespmem:s2+$0x18700]  }
0x63: {  	v12 =	vld [tilespmem:s7+$0x18700]  }
0x64: {  	v13 =	vld [tilespmem:s24+$0x18900]  }
0x65: {  	s0 =	sor.u32 $0x180, s0;
	v14 =	vld [tilespmem:s24+$0x18800]  }
0x66: {  	v15 =	vld [tilespmem:s0+$0x18700]  }
0x67: {  	v16 =	vld [tilespmem:s7+$0x19700]  }
0x68: {  	v17 =	vld [tilespmem:s24+$0x19700]  }
0x69: {  	v10 =	vld.idx.msk [tilespmem:v10+s1+$0x0], $0xffff  }
0x6a: {  	v18 =	vld [tilespmem:s24+$0x19800]  }
0x6b: {  	v12 =	vld.idx.msk [tilespmem:v12+s1+$0x0], $0xffff  }
0x6c: {  	v19 =	vld [tilespmem:s0+$0x19700]  }
0x6d: {  	v21 =	vsub.f32 $1.000000000e+00, v16;
	v20 =	vsub.f32 $1.000000000e+00, v17;
	v14 =	vld.idx.msk [tilespmem:v14+s1+$0x0], $0xffff  }
0x6e: {  	v22 =	vld [tilespmem:s24+$0x19900]  }
0x6f: {  	v21 =	vmul.f32 v21, v20;
	v23 =	vsub.f32 $1.000000000e+00, v18;
	v15 =	vld.idx.msk [tilespmem:v15+s1+$0x0], $0xffff  }
0x70: {  	v10 =	vmul.f32 v10, v17;
	v16 =	vmul.f32 v16, v20;
	v17 =	vld [tilespmem:s2+$0x19700]  }
0x71: {  	v20 =	vmul.f32 v23, v21;
	v23 =	vsub.f32 $1.000000000e+00, v19;
	v13 =	vld.idx.msk [tilespmem:v13+s1+$0x0], $0xffff  }
0x72: {  	v10 =	vadd.f32 $0.0e+00, v10;
	v12 =	vmul.f32 v12, v16;
	v16 =	vmul.f32 v18, v21;
	v18 =	vld [tilespmem:s24+$0x19A00]  }
0x73: {  	v21 =	vmul.f32 v23, v20;
	v23 =	vsub.f32 $1.000000000e+00, v22;
	v11 =	vld.idx.msk [tilespmem:v11+s1+$0x0], $0xffff  }
0x74: {  	v10 =	vadd.f32 v12, v10;
	v12 =	vmul.f32 v14, v16;
	v14 =	vmul.f32 v19, v20;
	v16 =	vld [tilespmem:s31+$0x19700]  }
0x75: {  	v19 =	vmul.f32 v23, v21;
	v20 =	vsub.f32 $1.000000000e+00, v17;
	v9 =	vld.idx.msk [tilespmem:v9+s1+$0x0], $0xffff  }
0x76: {  	v10 =	vadd.f32 v12, v10;
	v12 =	vmul.f32 v15, v14;
	v14 =	vmul.f32 v22, v21;
	v15 =	vld [tilespmem:s24+$0x19F00]  }
0x77: {  	v20 =	vmul.f32 v20, v19;
	v21 =	vsub.f32 $1.000000000e+00, v18;
	v8 =	vld.idx.msk [tilespmem:v8+s1+$0x0], $0xffff  }
0x78: {  	v10 =	vadd.f32 v12, v10;
	v12 =	vmul.f32 v13, v14;
	v13 =	vmul.f32 v17, v19;
	v14 =	vld [tilespmem:s30+$0x19700]  }
0x79: {  	v17 =	vmul.f32 v21, v20;
	v19 =	vsub.f32 $1.000000000e+00, v16;
	v7 =	vld.idx.msk [tilespmem:v7+s1+$0x0], $0xffff  }
0x7a: {  	v10 =	vadd.f32 v12, v10;
	v11 =	vmul.f32 v11, v13;
	v12 =	vmul.f32 v18, v20;
	v13 =	vld [tilespmem:s24+$0x1A000]  }
0x7b: {  	v18 =	vmul.f32 v19, v17;
	v19 =	vsub.f32 $1.000000000e+00, v15;
	v6 =	vld.idx.msk [tilespmem:v6+s1+$0x0], $0xffff  }
0x7c: {  	v10 =	vadd.f32 v11, v10;
	v9 =	vmul.f32 v9, v12;
	v11 =	vmul.f32 v16, v17;
	v12 =	vld [tilespmem:s29+$0x19700]  }
0x7d: {  	v16 =	vmul.f32 v19, v18;
	v17 =	vsub.f32 $1.000000000e+00, v14;
	v5 =	vld.idx.msk [tilespmem:v5+s1+$0x0], $0xffff  }
0x7e: {  	v9 =	vadd.f32 v9, v10;
	v8 =	vmul.f32 v8, v11;
	v10 =	vmul.f32 v15, v18;
	v11 =	vld [tilespmem:s24+$0x1A100]  }
0x7f: {  	v15 =	vmul.f32 v17, v16;
	v17 =	vsub.f32 $1.000000000e+00, v13;
	v4 =	vld.idx.msk [tilespmem:v4+s1+$0x0], $0xffff  }
0x80: {  	v8 =	vadd.f32 v8, v9;
	v7 =	vmul.f32 v7, v10;
	v9 =	vmul.f32 v14, v16;
	v10 =	vld [tilespmem:s25+$0x19700]  }
0x81: {  	v14 =	vmul.f32 v17, v15;
	v16 =	vsub.f32 $1.000000000e+00, v12;
	v3 =	vld.idx.msk [tilespmem:v3+s1+$0x0], $0xffff  }
0x82: {  	v7 =	vadd.f32 v7, v8;
	v6 =	vmul.f32 v6, v9;
	v8 =	vmul.f32 v13, v15;
	v9 =	vld [tilespmem:s24+$0x1A200]  }
0x83: {  	v13 =	vmul.f32 v16, v14;
	v15 =	vsub.f32 $1.000000000e+00, v11;
	v2 =	vld.idx.msk [tilespmem:v2+s1+$0x0], $0xffff  }
0x84: {  	v6 =	vadd.f32 v6, v7;
	v5 =	vmul.f32 v5, v8;
	v7 =	vmul.f32 v12, v14  }
0x85: {  	v8 =	vmul.f32 v15, v13;
	v12 =	vsub.f32 $1.000000000e+00, v10  }
0x86: {  	v5 =	vadd.f32 v5, v6;
	v4 =	vmul.f32 v4, v7;
	v6 =	vmul.f32 v11, v13;
	v1 =	vld.idx.msk [tilespmem:v1+s1+$0x0], $0xffff  }
0x87: {  	v7 =	vmul.f32 v10, v8;
	v10 =	vsub.f32 $1.000000000e+00, v9;
	v11 =	vld [tilespmem:s23+$0x19700]  }
0x88: {  	v4 =	vadd.f32 v4, v5;
	v3 =	vmul.f32 v3, v6;
	v5 =	vmul.f32 v12, v8;
	v0 =	vld.idx.msk [tilespmem:v0+s1+$0x0], $0xffff  }
0x89: {  	v2 =	vmul.f32 v2, v7  }
0x8a: {  	v3 =	vadd.f32 v3, v4;
	v4 =	vmul.f32 v9, v5;
	v5 =	vmul.f32 v10, v5;
	_ =	sdelay $0x1  }
0x8b: {  	v2 =	vadd.f32 v2, v3;
	v1 =	vmul.f32 v1, v4;
	v3 =	vmul.f32 v11, v5;
	_ =	sdelay $0x1  }
0x8c: {  	v1 =	vadd.f32 v1, v2;
	v0 =	vmul.f32 v0, v3;
	_ =	sdelay $0x1  }
0x8d: {  	s26 =	sadd.s32 $0x80, s26;
	v0 =	vadd.f32 v0, v1  }
0x8e: {  	s22 =	sadd.s32 $0x10, s22;
	s0 =	sand.u32 $0x70, s28;
	s2 =	sor.u32 s28, s26  }
0x8f: {  	s7 =	sand.u32 $0xFFFFFC00, s26;
	s24 =	sand.u32 $0x400, s26;
	s23 =	sor.u32 $0xB80, s2;
	[tilespmem:s22+$0x0] =	vst v0  }
0x90: {  	s24 =	sor.u32 s0, s24;
	s0 =	sadd.s32 s7, s28;
	v0 =	vld [tilespmem:s23+$0x18700]  }
0x91: {  	s25 =	sor.u32 $0xA80, s0;
	v1 =	vld [tilespmem:s24+$0x19200]  }
0x92: {  	v2 =	vld [tilespmem:s25+$0x18700]  }
0x93: {  	s29 =	sor.u32 $0x980, s0;
	v3 =	vld [tilespmem:s24+$0x19100]  }
0x94: {  	v4 =	vld [tilespmem:s29+$0x18700]  }
.Ltmp0:
0x95: {  	s30 =	sor.u32 $0x880, s0;
	v5 =	vld [tilespmem:s24+$0x19000];
	(pc) =	sbr.rel @p0 .LBB2_3-.Ltmp0, $4  }
0x96: {  	v6 =	vld [tilespmem:s30+$0x18700]  }
0x97: {  	s31 =	sor.u32 $0x380, s2;
	v7 =	vld [tilespmem:s24+$0x18F00]  }
0x98: {  	v8 =	vld [tilespmem:s31+$0x18700]  }
0x99: {  	s28 =	sadd.s32 $0x10, s28;
	v9 =	vld [tilespmem:s24+$0x18A00]  }
0x9a: {  	v10 =	vld [tilespmem:s24+$0x18700]  }
0x9b: {  	v13 =	vld [tilespmem:s24+$0x18900]  }
0x9c: {  	s7 =	sor.u32 $0x80, s0;
	v14 =	vld [tilespmem:s24+$0x18800]  }
0x9d: {  	v12 =	vld [tilespmem:s7+$0x18700]  }
0x9e: {  	v16 =	vld [tilespmem:s24+$0x19700]  }
0x9f: {  	v18 =	vld [tilespmem:s24+$0x19800]  }
0xa0: {  	s28 =	sor.u32 $0x180, s0;
	v15 =	vld [tilespmem:s7+$0x19700]  }
0xa1: {  	s2 =	sor.u32 $0x280, s0;
	v17 =	vld [tilespmem:s28+$0x18700]  }
0xa2: {  	v11 =	vld [tilespmem:s2+$0x18700]  }
0xa3: {  	v10 =	vld.idx.msk [tilespmem:v10+s1+$0x0], $0xffff  }
0xa4: {  	v19 =	vld [tilespmem:s28+$0x19700]  }
0xa5: {  	v20 =	vsub.f32 $1.000000000e+00, v16;
	v21 =	vsub.f32 $1.000000000e+00, v15;
	v12 =	vld.idx.msk [tilespmem:v12+s1+$0x0], $0xffff  }
0xa6: {  	v22 =	vld [tilespmem:s24+$0x19900]  }
0xa7: {  	v23 =	vsub.f32 $1.000000000e+00, v18;
	v14 =	vld.idx.msk [tilespmem:v14+s1+$0x0], $0xffff;
	v21 =	vmul.f32 v21, v20  }
0xa8: {  	v54 =	vld [tilespmem:s2+$0x19700];
	v15 =	vmul.f32 v15, v20;
	v10 =	vmul.f32 v10, v16  }
0xa9: {  	v56 =	vsub.f32 $1.000000000e+00, v19;
	v17 =	vld.idx.msk [tilespmem:v17+s1+$0x0], $0xffff;
	v55 =	vmul.f32 v23, v21  }
0xaa: {  	v58 =	vld [tilespmem:s24+$0x19A00];
	v57 =	vmul.f32 v18, v21;
	v12 =	vmul.f32 v12, v15;
	v10 =	vadd.f32 $0.0e+00, v10  }
0xab: {  	v60 =	vsub.f32 $1.000000000e+00, v22;
	v13 =	vld.idx.msk [tilespmem:v13+s1+$0x0], $0xffff;
	v59 =	vmul.f32 v56, v55  }
0xac: {  	v63 =	vld [tilespmem:s31+$0x19700];
	v62 =	vmul.f32 v19, v55;
	v61 =	vmul.f32 v14, v57;
	v10 =	vadd.f32 v12, v10  }
0xad: {  	v25 =	vsub.f32 $1.000000000e+00, v54;
	v11 =	vld.idx.msk [tilespmem:v11+s1+$0x0], $0xffff;
	v24 =	vmul.f32 v60, v59  }
0xae: {  	v28 =	vld [tilespmem:s24+$0x19F00];
	v26 =	vmul.f32 v17, v62;
	v27 =	vmul.f32 v22, v59;
	v10 =	vadd.f32 v61, v10  }
0xaf: {  	v9 =	vld.idx.msk [tilespmem:v9+s1+$0x0], $0xffff;
	v29 =	vsub.f32 $1.000000000e+00, v58;
	v20 =	vmul.f32 v25, v24  }
0xb0: {  	v32 =	vld [tilespmem:s30+$0x19700];
	v30 =	vmul.f32 v13, v27;
	v31 =	vmul.f32 v54, v24;
	v10 =	vadd.f32 v26, v10  }
0xb1: {  	v8 =	vld.idx.msk [tilespmem:v8+s1+$0x0], $0xffff;
	v34 =	vsub.f32 $1.000000000e+00, v63;
	v33 =	vmul.f32 v29, v20  }
0xb2: {  	v36 =	vld [tilespmem:s24+$0x1A000];
	v11 =	vmul.f32 v11, v31;
	v35 =	vmul.f32 v58, v20;
	v10 =	vadd.f32 v30, v10  }
0xb3: {  	v7 =	vld.idx.msk [tilespmem:v7+s1+$0x0], $0xffff;
	v38 =	vsub.f32 $1.000000000e+00, v28;
	v37 =	vmul.f32 v34, v33  }
0xb4: {  	v40 =	vld [tilespmem:s29+$0x19700];
	v9 =	vmul.f32 v9, v35;
	v39 =	vmul.f32 v63, v33;
	v10 =	vadd.f32 v11, v10  }
0xb5: {  	v6 =	vld.idx.msk [tilespmem:v6+s1+$0x0], $0xffff;
	v42 =	vsub.f32 $1.000000000e+00, v32;
	v41 =	vmul.f32 v38, v37  }
0xb6: {  	v44 =	vld [tilespmem:s24+$0x1A100];
	v8 =	vmul.f32 v8, v39;
	v43 =	vmul.f32 v28, v37;
	v9 =	vadd.f32 v9, v10  }
0xb7: {  	v5 =	vld.idx.msk [tilespmem:v5+s1+$0x0], $0xffff;
	v45 =	vsub.f32 $1.000000000e+00, v36;
	v16 =	vmul.f32 v42, v41  }
0xb8: {  	v47 =	vld [tilespmem:s25+$0x19700];
	v7 =	vmul.f32 v7, v43;
	v46 =	vmul.f32 v32, v41;
	v8 =	vadd.f32 v8, v9  }
0xb9: {  	v4 =	vld.idx.msk [tilespmem:v4+s1+$0x0], $0xffff;
	v49 =	vsub.f32 $1.000000000e+00, v40;
	v48 =	vmul.f32 v45, v16  }
0xba: {  	v51 =	vld [tilespmem:s24+$0x1A200];
	v6 =	vmul.f32 v6, v46;
	v50 =	vmul.f32 v36, v16;
	v7 =	vadd.f32 v7, v8  }
0xbb: {  	v3 =	vld.idx.msk [tilespmem:v3+s1+$0x0], $0xffff;
	v53 =	vsub.f32 $1.000000000e+00, v44;
	v52 =	vmul.f32 v49, v48  }
0xbc: {  	v2 =	vld.idx.msk [tilespmem:v2+s1+$0x0], $0xffff;
	v5 =	vmul.f32 v5, v50;
	v54 =	vmul.f32 v40, v48;
	v6 =	vadd.f32 v6, v7  }
0xbd: {  	v56 =	vsub.f32 $1.000000000e+00, v47;
	v55 =	vmul.f32 v53, v52  }
0xbe: {  	v1 =	vld.idx.msk [tilespmem:v1+s1+$0x0], $0xffff;
	v4 =	vmul.f32 v4, v54;
	v57 =	vmul.f32 v44, v52;
	v5 =	vadd.f32 v5, v6  }
0xbf: {  	v59 =	vsub.f32 $1.000000000e+00, v51;
	v60 =	vld [tilespmem:s23+$0x19700];
	v58 =	vmul.f32 v47, v55  }
0xc0: {  	v3 =	vmul.f32 v3, v57;
	v61 =	vmul.f32 v56, v55;
	v4 =	vadd.f32 v4, v5  }
0xc1: {  	v0 =	vld.idx.msk [tilespmem:v0+s1+$0x0], $0xffff;
	v2 =	vmul.f32 v2, v58  }
0xc2: {  	v62 =	vmul.f32 v51, v61;
	v5 =	vmul.f32 v59, v61;
	v3 =	vadd.f32 v3, v4;
	_ =	sdelay $0x1  }
0xc3: {  	v1 =	vmul.f32 v1, v62;
	v63 =	vmul.f32 v60, v5;
	v2 =	vadd.f32 v2, v3;
	_ =	sdelay $0x1  }
0xc4: {  	v0 =	vmul.f32 v0, v63;
	v1 =	vadd.f32 v1, v2  }
0xc5: {  	s30 =	sshll.u32 s21, $0x2  }
0xc6: {  	s20 =	sadd.s32 $0x1, s20;
	s0 =	sadd.s32 s9, s30;
	v0 =	vadd.f32 v0, v1  }
0xc7: {  	s31 =	sadd.s32 $0x10, s22;
	p0 =	sne.s32 s20, $0x80;
	s0 =	sshrl.u32 s0, $0x3  }
.Ltmp1:
0xc8: {  	s0 =	sadd.s32 s5, s0;
	[tilespmem:s31+$0x0] =	vst v0;
	(pc) =	sbr.rel @p0 .LBB2_2-.Ltmp1, $4  }
0xc9: {  	[hbm4b:s0+s11] =	stream.strided.scatter [tilespmem:s18], [sflag:$0x1], $0x100, s12, s11, $0x38;
	[tilespmem:$0x1A800] =	vst v63  }
0xca: {  	_ =	swait.ge [sflag:s13], $0x100  }
0xcb: {  	[sflag:s13] =	ssyncset.done $0x0  }
0xcc: {  	[sflag:s13] =	ssyncadd.s32 $0xFFFFFF00  }
0xcd: {  	s19 =	sadd.s32 $0x1, s19  }
0xce: {  	p0 =	sne.s32 s19, s10  }
.Ltmp2:
0xcf: {  	_ = 	snop;
	(pc) =	sbr.rel @p0 .LBB2_1-.Ltmp2, $1  }
0xd0: {  	_ =	sdelay $0x3  }
0xd1: {  	_ =	sfence.sel $0x180000  }
0xd2: {  	[bflag:$0x0] =	sbarrier.arrive $0xFFFF  }
0xd3: {  	_ =	strace $0x90000047  }
0xd4: {  	s0 =	stileid.u32;
	[bflag:$0x2] =	sbarrier.arrive $0xFFFF  }
0xd5: {  	p0 =	sne.s32 s0, $0x0;
	s0 =	rddreg [dreg:$0x2]  }
0xd6: {  	s0 =	sadd.s32 @!p0 $0x100000, s0  }
0xd7: {  	[sflag:s0] =	ssyncadd.tile.s32 @!p0 $0x1;
	_ =	shalt  }
.Lfunc_end2:
_tile_overlayer_lowered:
.L_overlay_start_2:
0xd8: {  	(tag) =	ssettag $0x2  }
0xd9: {  	s0 =	rddreg [dreg:$0x0];
	s2 =	stileid.u32  }
0xda: {  	s1 =	rddreg [dreg:$0x1];
	p0 =	sne.s32 s2, $0x0  }
0xdb: {  	s3 =	rddreg [dreg:$0x2];
	[bflag:$0x3] =	sbarrier.arrive $0xFFFF;
	s2 =	simm.s32 @!p0 $0x1C01  }
0xdc: {  	[timem:s3], [sflag:s2] =	dma.local @!p0 [hbm:s0], s1  }
0xdd: {  	s0 =	simm.s32 @!p0 $0x1  }
0xde: {  	_ =	swait.ge @!p0 [sflag:s0], s1  }
0xdf: {  	s1 =	ssub.s32 @!p0 $0x0, s1;
	[sflag:s0] =	ssyncset.done @!p0 $0x0  }
0xe0: {  	[sflag:s0] =	ssyncadd.s32 @!p0 s1  }
0xe1: {  	[bflag:$0x3] =	sbarrier.arrive $0xFFFF  }
0xe2: {  	_ =	shalt  }

</sc_bundles>
